<compile_context>
chip_gen: v7x
topology: tpu7x:2x2x1
jax: 0.10.2.dev20260603
libtpu: 0.0.44.dev20260713+nightly
codegen_flags: <defaults>
</compile_context>

<pallas_src>
import jax
import jax.numpy as jnp
from jax import lax
from jax.experimental import pallas as pl
from jax.experimental.pallas import tpu as pltpu
from jax.experimental.pallas import tpu_sc as plsc

N_NODES = 10000
ROWS = 10240
NC, NS = 2, 16
NW = NC * NS
CH = 96
K = 105
EPAD = NW * K * CH
D1 = 128
RPT = ROWS // NS


def _sc_agg(table, srcb, dstb, z2, z1, d, with_deg):
  mesh = plsc.VectorSubcoreMesh(core_axis_name="c", subcore_axis_name="s")
  ibk = 15 if d > 32 else K
  kb = K // ibk
  outs = [jax.ShapeDtypeStruct((NC, ROWS, d), jnp.float32)]
  scratch = [
      pltpu.VMEM((ibk, CH), jnp.int32),
      pltpu.VMEM((ibk, CH), jnp.int32),
      pltpu.VMEM((CH, d), jnp.float32),
      pltpu.VMEM((CH, d), jnp.float32),
      pltpu.VMEM((CH, d), jnp.float32),
      pltpu.VMEM_SHARED((ROWS, d), jnp.float32),
      pltpu.SemaphoreType.DMA,
      pltpu.SemaphoreType.DMA,
      pltpu.SemaphoreType.DMA,
      pltpu.SemaphoreType.DMA,
      pltpu.SemaphoreType.DMA,
      pltpu.SemaphoreType.DMA,
      pltpu.SemaphoreType.DMA,
  ]
  if with_deg:
    outs.append(jax.ShapeDtypeStruct((NC, ROWS), jnp.float32))
    scratch += [pltpu.VMEM((CH,), jnp.float32),
                pltpu.VMEM_SHARED((ROWS,), jnp.float32)]

  def body(table_h, src_h, dst_h, z2_h, z1_h, *rest):
    ones = deg_sh = deg_out = None
    if with_deg:
      (acc_out, deg_out, sidx, didx, rb0, rb1, rb2, acc_sh,
       sg0, sg1, sg2, ss0, ss1, ss2, semd, ones, deg_sh) = rest
    else:
      (acc_out, sidx, didx, rb0, rb1, rb2, acc_sh,
       sg0, sg1, sg2, ss0, ss1, ss2, semd) = rest
    rows = (rb0, rb1, rb2)
    semg = (sg0, sg1, sg2)
    sems = (ss0, ss1, ss2)
    cid = lax.axis_index("c")
    sid = lax.axis_index("s")
    wid = sid * NC + cid
    r0 = sid * RPT
    pltpu.sync_copy(z2_h.at[pl.ds(r0, RPT)], acc_sh.at[pl.ds(r0, RPT)])
    if with_deg:
      pltpu.sync_copy(z1_h.at[pl.ds(r0, RPT)], deg_sh.at[pl.ds(r0, RPT)])
      for i in range(CH // 16):
        ones[pl.ds(i * 16, 16)] = jnp.full((16,), 1.0, jnp.float32)
    plsc.subcore_barrier()

    def wait_g(k, b):
      pltpu.make_async_copy(table_h.at[sidx.at[k]], rows[b], semg[b]).wait()

    def wait_s(b):
      pltpu.make_async_copy(rows[b], acc_sh.at[didx.at[0]], sems[b]).wait()

    def wait_d():
      pltpu.make_async_copy(ones, deg_sh.at[didx.at[0]], semd).wait()

    def block(blk, carry):
      pltpu.sync_copy(src_h.at[wid, pl.ds(blk * ibk, ibk)], sidx)
      pltpu.sync_copy(dst_h.at[wid, pl.ds(blk * ibk, ibk)], didx)
      pltpu.async_copy(table_h.at[sidx.at[0]], rows[0], semg[0])
      pltpu.async_copy(table_h.at[sidx.at[1]], rows[1], semg[1])

      def step(j, c):
        for b in range(3):
          k = 3 * j + b
          wait_g(k, b)
          pltpu.async_copy(rows[b], acc_sh.at[didx.at[k]], sems[b], add=True)
          if with_deg:
            @pl.when(k >= 1)
            def _():
              wait_d()
            pltpu.async_copy(ones, deg_sh.at[didx.at[k]], semd, add=True)

          @pl.when(jnp.logical_and(k >= 1, k + 2 < ibk))
          def _():
            wait_s((b + 2) % 3)

          @pl.when(k + 2 < ibk)
          def _():
            pltpu.async_copy(
                table_h.at[sidx.at[k + 2]], rows[(b + 2) % 3],
                semg[(b + 2) % 3])
        return c
      lax.fori_loop(0, ibk // 3, step, 0)
      for b in range(3):
        wait_s(b)
      if with_deg:
        wait_d()
      return carry
    lax.fori_loop(0, kb, block, 0)

    plsc.subcore_barrier()
    pltpu.sync_copy(acc_sh.at[pl.ds(r0, RPT)], acc_out.at[cid, pl.ds(r0, RPT)])
    if with_deg:
      pltpu.sync_copy(deg_sh.at[pl.ds(r0, RPT)], deg_out.at[cid, pl.ds(r0, RPT)])

  f = pl.kernel(body, out_type=outs, mesh=mesh, scratch_types=scratch,
                compiler_params=pltpu.CompilerParams(use_tc_tiling_on_sc=False))
  return f(table, srcb, dstb, z2, z1)


def _tc_mid(acc, degb, W1, b1, W2):
  def body(acc_ref, deg_ref, w1_ref, b1_ref, w2_ref, out_ref):
    a = acc_ref[0] + acc_ref[1]
    mean = a / jnp.maximum(deg_ref[...], 1.0)
    h1 = jnp.maximum(
        lax.dot_general(mean, w1_ref[...], (((1,), (1,)), ((), ())),
                        preferred_element_type=jnp.float32)
        + b1_ref[...][None, :], 0.0)
    y2 = lax.dot_general(h1, w2_ref[...], (((1,), (1,)), ((), ())),
                         preferred_element_type=jnp.float32)
    out_ref[...] = jnp.concatenate(
        [y2, jnp.zeros((ROWS, 12), jnp.float32)], axis=1)
  return pl.pallas_call(
      body, out_shape=jax.ShapeDtypeStruct((ROWS, 32), jnp.float32),
  )(acc, degb, W1, b1, W2)


def _tc_head(acc2, degb2, b2p, gid, self_feat, x3d, Wv2, Wo2, g2, bb2,
             Wv3, Wo3, g3, bb3, f1w, f1b, f2w, f2b):
  def body(acc_ref, deg_ref, b2_ref, gid_ref, sf_ref, x3_ref, wv2_ref,
           wo2_ref, g2_ref, bb2_ref, wv3_ref, wo3_ref, g3_ref, bb3_ref,
           f1w_ref, f1b_ref, f2w_ref, f2b_ref, out_ref):
    acc = acc_ref[0] + acc_ref[1]
    mean2 = acc / jnp.maximum(deg_ref[...], 1.0)
    h2 = jnp.maximum(mean2[:N_NODES] + b2_ref[...][None, :], 0.0)
    gid_v = gid_ref[...]
    iot = lax.broadcasted_iota(jnp.int32, (128, N_NODES), 0)
    mask = (iot == gid_v[None, :]).astype(jnp.float32)
    cnt = jnp.sum(mask, axis=1, keepdims=True)
    pooled = lax.dot_general(mask, h2, (((1,), (0,)), ((), ())),
                             preferred_element_type=jnp.float32)
    hg = pooled[:, :20] / jnp.maximum(cnt, 1.0)

    def ln(t, g, b):
      m = jnp.mean(t, axis=1, keepdims=True)
      v = jnp.mean((t - m) ** 2, axis=1, keepdims=True)
      return (t - m) / jnp.sqrt(v + 1e-5) * g[None, :] + b[None, :]

    def vwo(inp, wv, wo):
      v = lax.dot_general(inp, wv, (((1,), (1,)), ((), ())),
                          preferred_element_type=jnp.float32)
      return lax.dot_general(v, wo, (((1,), (1,)), ((), ())),
                             preferred_element_type=jnp.float32)

    t1 = ln(hg + vwo(sf_ref[...], wv2_ref[...], wo2_ref[...]),
            g2_ref[...], bb2_ref[...])
    t2 = ln(t1 + vwo(x3_ref[...], wv3_ref[...], wo3_ref[...]),
            g3_ref[...], bb3_ref[...])
    f = jnp.maximum(
        lax.dot_general(t2, f1w_ref[...], (((1,), (1,)), ((), ())),
                        preferred_element_type=jnp.float32)
        + f1b_ref[...][None, :], 0.0)
    out_ref[...] = jnp.sum(f * f2w_ref[...], axis=1,
                           keepdims=True) + f2b_ref[0]
  return pl.pallas_call(
      body, out_shape=jax.ShapeDtypeStruct((128, 1), jnp.float32),
  )(acc2, degb2, b2p, gid, self_feat, x3d, Wv2, Wo2, g2, bb2,
    Wv3, Wo3, g3, bb3, f1w, f1b, f2w, f2b)


def kernel(x, edge_index, graph_ids, self_feat, x3d, W1, b1, W2, b2,
           Wq2, Wk2, Wv2, Wo2, ln2_g, ln2_b,
           Wq3, Wk3, Wv3, Wo3, ln3_g, ln3_b,
           fc1_W, fc1_b, fc2_W, fc2_b):
  src = edge_index[0].astype(jnp.int32)
  dst = edge_index[1].astype(jnp.int32)
  e = src.shape[0]
  pad = EPAD - e
  srcp = jnp.concatenate([src, jnp.zeros((pad,), jnp.int32)]).reshape(NW, K, CH)
  dstp = jnp.concatenate(
      [dst, jnp.full((pad,), N_NODES, jnp.int32)]).reshape(NW, K, CH)
  zd1 = jnp.zeros((ROWS, D1), jnp.float32)
  z32 = jnp.zeros((ROWS, 32), jnp.float32)
  z1 = jnp.zeros((ROWS,), jnp.float32)

  acc1, deg = _sc_agg(x, srcp, dstp, zd1, z1, D1, True)
  degs = deg[0] + deg[1]
  degb = jnp.broadcast_to(degs[:, None], (ROWS, D1))
  y2 = _tc_mid(acc1, degb, W1, b1, W2)
  acc2 = _sc_agg(y2, srcp, dstp, z32, z1, 32, False)[0]
  degb2 = jnp.broadcast_to(degs[:, None], (ROWS, 32))
  b2p = jnp.concatenate([b2, jnp.zeros((12,), jnp.float32)])
  return _tc_head(acc2, degb2, b2p, graph_ids.astype(jnp.int32),
                  self_feat, x3d, Wv2, Wo2, ln2_g, ln2_b,
                  Wv3, Wo3, ln3_g, ln3_b, fc1_W, fc1_b, fc2_W, fc2_b)

# --- scband reference (transcript-rebuilt; emitter-appended) ---
"""Pipeline reference for scband-net-61478161874964 (READ-ONLY COPY).

The authoritative reference and input builder live on the scoring server;
editing this copy changes nothing except your own understanding.
"""

import jax, jax.numpy as jnp
import numpy as np

N_NODES = 10000
N_EDGES = 320000
DIM_IN = 128
DIM_OUT = 1
DIM_SELF = 200
DIM_3D = 300
B = 128
D_G = 20
D_K = 32


def _linear(x, W, b=None):
    y = x @ W.T
    if b is not None:
        y = y + b
    return y


def _layernorm(x, g, b, eps=1e-5):
    m = jnp.mean(x, axis=-1, keepdims=True)
    v = jnp.var(x, axis=-1, keepdims=True)
    return (x - m) / jnp.sqrt(v + eps) * g + b


def _gcn_layer(h, src, dst, n_nodes, W, b):
    # DGL copy_u + mean reduce: mean of incoming neighbor features, then Linear
    msg = jnp.take(h, src, axis=0)
    s = jax.ops.segment_sum(msg, dst, num_segments=n_nodes)
    deg = jax.ops.segment_sum(jnp.ones((src.shape[0],), h.dtype), dst, num_segments=n_nodes)
    mean = s / jnp.maximum(deg, 1.0)[:, None]
    return _linear(mean, W, b)


def _cross_attn(hg, x, Wq, Wk, Wv, Wo, ln_g, ln_b):
    Q = _linear(hg, Wq)[:, None, :]          # (B,1,d_k)
    K = _linear(x, Wk)[:, None, :]           # (B,1,d_k)
    V = _linear(x, Wv)[:, None, :]           # (B,1,d_k)
    scores = jnp.einsum('bqd,bkd->bqk', Q, K) / (D_K ** 0.5)
    A = jax.nn.softmax(scores, axis=-1)
    Z = jnp.einsum('bqk,bkd->bqd', A, V)
    Z = _linear(Z, Wo)[:, 0, :]
    return _layernorm(hg + Z, ln_g, ln_b), A[:, 0, :]


def _w(key, out_f, in_f):
    return jax.random.normal(key, (out_f, in_f), dtype=jnp.float32) * (1.0 / np.sqrt(in_f))


def setup_inputs(seed: int = 0) -> dict:
    key = jax.random.key(seed)
    ks = [jax.random.fold_in(key, i) for i in range(32)]
    inp = {}
    inp['x'] = jax.random.normal(ks[0], (N_NODES, DIM_IN), dtype=jnp.float32)
    inp['edge_index'] = jax.random.randint(ks[1], (2, N_EDGES), 0, N_NODES, dtype=jnp.int64 if jax.config.jax_enable_x64 else jnp.int32)
    inp['graph_ids'] = jnp.sort(jax.random.randint(ks[2], (N_NODES,), 0, B))
    inp['self_feat'] = jax.random.normal(ks[3], (B, DIM_SELF), dtype=jnp.float32)
    inp['x3d'] = jax.random.normal(ks[4], (B, DIM_3D), dtype=jnp.float32)
    # gc1 / gc2
    inp['W1'] = _w(ks[5], 100, DIM_IN)
    inp['b1'] = jnp.zeros((100,), jnp.float32)
    inp['W2'] = _w(ks[6], D_G, 100)
    inp['b2'] = jnp.zeros((D_G,), jnp.float32)
    # attn_2d
    inp['Wq2'] = _w(ks[7], D_K, D_G)
    inp['Wk2'] = _w(ks[8], D_K, DIM_SELF)
    inp['Wv2'] = _w(ks[9], D_K, DIM_SELF)
    inp['Wo2'] = _w(ks[10], D_G, D_K)
    inp['ln2_g'] = jnp.ones((D_G,), jnp.float32)
    inp['ln2_b'] = jnp.zeros((D_G,), jnp.float32)
    # attn_3d
    inp['Wq3'] = _w(ks[11], D_K, D_G)
    inp['Wk3'] = _w(ks[12], D_K, DIM_3D)
    inp['Wv3'] = _w(ks[13], D_K, DIM_3D)
    inp['Wo3'] = _w(ks[14], D_G, D_K)
    inp['ln3_g'] = jnp.ones((D_G,), jnp.float32)
    inp['ln3_b'] = jnp.zeros((D_G,), jnp.float32)
    # heads
    inp['fc1_W'] = _w(ks[15], 10, D_G)
    inp['fc1_b'] = jnp.zeros((10,), jnp.float32)
    inp['fc2_W'] = _w(ks[16], DIM_OUT, 10)
    inp['fc2_b'] = jnp.zeros((DIM_OUT,), jnp.float32)
    return inp


def reference(x, edge_index, graph_ids, self_feat, x3d, W1, b1, W2, b2,
              Wq2, Wk2, Wv2, Wo2, ln2_g, ln2_b,
              Wq3, Wk3, Wv3, Wo3, ln3_g, ln3_b,
              fc1_W, fc1_b, fc2_W, fc2_b):
    src = edge_index[0]
    dst = edge_index[1]
    h = jax.nn.relu(_gcn_layer(x, src, dst, N_NODES, W1, b1))
    h = jax.nn.relu(_gcn_layer(h, src, dst, N_NODES, W2, b2))
    # dgl.mean_nodes: per-graph mean pooling
    s = jax.ops.segment_sum(h, graph_ids, num_segments=B)
    cnt = jax.ops.segment_sum(jnp.ones((N_NODES,), h.dtype), graph_ids, num_segments=B)
    hg = s / jnp.maximum(cnt, 1.0)[:, None]
    hg1, _ = _cross_attn(hg, self_feat, Wq2, Wk2, Wv2, Wo2, ln2_g, ln2_b)
    hg2, _ = _cross_attn(hg1, x3d, Wq3, Wk3, Wv3, Wo3, ln3_g, ln3_b)
    out = jax.nn.relu(_linear(hg2, fc1_W, fc1_b))
    out = _linear(out, fc2_W, fc2_b)
    return out

if __name__ == "__main__":
    import jax
    _d = setup_inputs()
    print(jax.jit(kernel)(*tuple(_d.values())))

</pallas_src>

<mosaic_0001>
#map = affine_map<(d0, d1) -> (0, 0)>
#map1 = affine_map<(d0, d1) -> (0, 0, 0)>
#map2 = affine_map<(d0, d1) -> (0)>
module attributes {stable_mosaic.version = 14 : i64} {
  func.func @body(%arg0: i32, %arg1: i32, %arg2: memref<10000x128xf32, #tpu.memory_space<hbm>>, %arg3: memref<32x105x96xi32, #tpu.memory_space<hbm>>, %arg4: memref<32x105x96xi32, #tpu.memory_space<hbm>>, %arg5: memref<10240x128xf32, #tpu.memory_space<hbm>>, %arg6: memref<10240xf32, #tpu.memory_space<hbm>>, %arg7: memref<2x10240x128xf32, #tpu.memory_space<hbm>>, %arg8: memref<2x10240xf32, #tpu.memory_space<hbm>>, %arg9: memref<15x96xi32, #tpu.memory_space<vmem>>, %arg10: memref<15x96xi32, #tpu.memory_space<vmem>>, %arg11: memref<96x128xf32, #tpu.memory_space<vmem>>, %arg12: memref<96x128xf32, #tpu.memory_space<vmem>>, %arg13: memref<96x128xf32, #tpu.memory_space<vmem>>, %arg14: memref<10240x128xf32, #tpu.memory_space<vmem_shared>>, %arg15: memref<!tpu.dma_semaphore, #tpu.memory_space<semaphore_mem>>, %arg16: memref<!tpu.dma_semaphore, #tpu.memory_space<semaphore_mem>>, %arg17: memref<!tpu.dma_semaphore, #tpu.memory_space<semaphore_mem>>, %arg18: memref<!tpu.dma_semaphore, #tpu.memory_space<semaphore_mem>>, %arg19: memref<!tpu.dma_semaphore, #tpu.memory_space<semaphore_mem>>, %arg20: memref<!tpu.dma_semaphore, #tpu.memory_space<semaphore_mem>>, %arg21: memref<!tpu.dma_semaphore, #tpu.memory_space<semaphore_mem>>, %arg22: memref<96xf32, #tpu.memory_space<vmem>>, %arg23: memref<10240xf32, #tpu.memory_space<vmem_shared>>) attributes {dimension_semantics = [#tpu.dimension_semantics<core_parallel>, #tpu.dimension_semantics<subcore_parallel>], iteration_bounds = array<i64: 2, 16>, scalar_prefetch = 0 : i64, scratch_operands = 15 : i64, tpu.core_type = #tpu.core_type<sc_vector_subcore>, window_params = [{transform_indices = #map}, {transform_indices = #map1}, {transform_indices = #map1}, {transform_indices = #map}, {transform_indices = #map2}, {transform_indices = #map1}, {transform_indices = #map}]} {
    %mul3A = arith.constant 2 : i32
    %mul3A_0 = arith.muli %arg1, %mul3A : i32
    %add3A = arith.addi %mul3A_0, %arg0 : i32
    %mul3A_1 = arith.constant 640 : i32
    %mul3A_2 = arith.muli %arg1, %mul3A_1 : i32
    "tpu.region"() ({
      %run_scoped3A = tpu.sem_alloc : memref<!tpu.dma_semaphore, #tpu.memory_space<semaphore_mem>>
      %dma_start3A = arith.constant 0 : i32
      %dma_start3A_43 = tpu.memref_slice %arg14[%mul3A_2, %dma_start3A] : memref<10240x128xf32, #tpu.memory_space<vmem_shared>> -> memref<640x128xf32, #tpu.memory_space<vmem_shared>>
      %dma_start3A_44 = arith.constant 0 : i32
      %dma_start3A_45 = tpu.memref_slice %arg5[%mul3A_2, %dma_start3A_44] : memref<10240x128xf32, #tpu.memory_space<hbm>> -> memref<640x128xf32, #tpu.memory_space<hbm>>
      tpu.enqueue_dma source(%dma_start3A_45 : memref<640x128xf32, #tpu.memory_space<hbm>>) target(%dma_start3A_43 : memref<640x128xf32, #tpu.memory_space<vmem_shared>>) target_semaphore(%run_scoped3A : memref<!tpu.dma_semaphore, #tpu.memory_space<semaphore_mem>>)
      %dma_wait3A = arith.constant 0 : i32
      %dma_wait3A_46 = tpu.memref_slice %arg14[%mul3A_2, %dma_wait3A] : memref<10240x128xf32, #tpu.memory_space<vmem_shared>> -> memref<640x128xf32, #tpu.memory_space<vmem_shared>>
      %dma_wait3A_47 = arith.constant 0 : i32
      %dma_wait3A_48 = tpu.memref_slice %arg5[%mul3A_2, %dma_wait3A_47] : memref<10240x128xf32, #tpu.memory_space<hbm>> -> memref<640x128xf32, #tpu.memory_space<hbm>>
      tpu.wait_dma2 semaphore(%run_scoped3A : memref<!tpu.dma_semaphore, #tpu.memory_space<semaphore_mem>>) src(%dma_wait3A_48 : memref<640x128xf32, #tpu.memory_space<hbm>>) dst(%dma_wait3A_46 : memref<640x128xf32, #tpu.memory_space<vmem_shared>>)
      tpu.yield
    }) : () -> ()
    "tpu.region"() ({
      %run_scoped3A = tpu.sem_alloc : memref<!tpu.dma_semaphore, #tpu.memory_space<semaphore_mem>>
      %dma_start3A = tpu.memref_slice %arg23[%mul3A_2] : memref<10240xf32, #tpu.memory_space<vmem_shared>> -> memref<640xf32, #tpu.memory_space<vmem_shared>>
      %dma_start3A_43 = tpu.memref_slice %arg6[%mul3A_2] : memref<10240xf32, #tpu.memory_space<hbm>> -> memref<640xf32, #tpu.memory_space<hbm>>
      tpu.enqueue_dma source(%dma_start3A_43 : memref<640xf32, #tpu.memory_space<hbm>>) target(%dma_start3A : memref<640xf32, #tpu.memory_space<vmem_shared>>) target_semaphore(%run_scoped3A : memref<!tpu.dma_semaphore, #tpu.memory_space<semaphore_mem>>)
      %dma_wait3A = tpu.memref_slice %arg23[%mul3A_2] : memref<10240xf32, #tpu.memory_space<vmem_shared>> -> memref<640xf32, #tpu.memory_space<vmem_shared>>
      %dma_wait3A_44 = tpu.memref_slice %arg6[%mul3A_2] : memref<10240xf32, #tpu.memory_space<hbm>> -> memref<640xf32, #tpu.memory_space<hbm>>
      tpu.wait_dma2 semaphore(%run_scoped3A : memref<!tpu.dma_semaphore, #tpu.memory_space<semaphore_mem>>) src(%dma_wait3A_44 : memref<640xf32, #tpu.memory_space<hbm>>) dst(%dma_wait3A : memref<640xf32, #tpu.memory_space<vmem_shared>>)
      tpu.yield
    }) : () -> ()
    %broadcast_in_dim3A = arith.constant 1.000000e+00 : f32
    %broadcast_in_dim3A_3 = vector.broadcast %broadcast_in_dim3A : f32 to vector<16xf32>
    %swap3A = arith.constant 0 : index
    %swap3A_4 = tpu.vector_load %arg22[%swap3A] {strides = array<i32>} : memref<96xf32, #tpu.memory_space<vmem>>, vector<16xf32>,
    %swap3A_5 = vector.shape_cast %swap3A_4 : vector<16xf32> to vector<16xf32>
    %swap3A_6 = vector.shape_cast %broadcast_in_dim3A_3 : vector<16xf32> to vector<16xf32>
    tpu.vector_store %arg22[%swap3A], %swap3A_6 {strides = array<i32>} : memref<96xf32, #tpu.memory_space<vmem>>, vector<16xf32>,
    %broadcast_in_dim3A_7 = arith.constant 1.000000e+00 : f32
    %broadcast_in_dim3A_8 = vector.broadcast %broadcast_in_dim3A_7 : f32 to vector<16xf32>
    %swap3A_9 = arith.constant 16 : index
    %swap3A_10 = tpu.vector_load %arg22[%swap3A_9] {strides = array<i32>} : memref<96xf32, #tpu.memory_space<vmem>>, vector<16xf32>,
    %swap3A_11 = vector.shape_cast %swap3A_10 : vector<16xf32> to vector<16xf32>
    %swap3A_12 = vector.shape_cast %broadcast_in_dim3A_8 : vector<16xf32> to vector<16xf32>
    tpu.vector_store %arg22[%swap3A_9], %swap3A_12 {strides = array<i32>} : memref<96xf32, #tpu.memory_space<vmem>>, vector<16xf32>,
    %broadcast_in_dim3A_13 = arith.constant 1.000000e+00 : f32
    %broadcast_in_dim3A_14 = vector.broadcast %broadcast_in_dim3A_13 : f32 to vector<16xf32>
    %swap3A_15 = arith.constant 32 : index
    %swap3A_16 = tpu.vector_load %arg22[%swap3A_15] {strides = array<i32>} : memref<96xf32, #tpu.memory_space<vmem>>, vector<16xf32>,
    %swap3A_17 = vector.shape_cast %swap3A_16 : vector<16xf32> to vector<16xf32>
    %swap3A_18 = vector.shape_cast %broadcast_in_dim3A_14 : vector<16xf32> to vector<16xf32>
    tpu.vector_store %arg22[%swap3A_15], %swap3A_18 {strides = array<i32>} : memref<96xf32, #tpu.memory_space<vmem>>, vector<16xf32>,
    %broadcast_in_dim3A_19 = arith.constant 1.000000e+00 : f32
    %broadcast_in_dim3A_20 = vector.broadcast %broadcast_in_dim3A_19 : f32 to vector<16xf32>
    %swap3A_21 = arith.constant 48 : index
    %swap3A_22 = tpu.vector_load %arg22[%swap3A_21] {strides = array<i32>} : memref<96xf32, #tpu.memory_space<vmem>>, vector<16xf32>,
    %swap3A_23 = vector.shape_cast %swap3A_22 : vector<16xf32> to vector<16xf32>
    %swap3A_24 = vector.shape_cast %broadcast_in_dim3A_20 : vector<16xf32> to vector<16xf32>
    tpu.vector_store %arg22[%swap3A_21], %swap3A_24 {strides = array<i32>} : memref<96xf32, #tpu.memory_space<vmem>>, vector<16xf32>,
    %broadcast_in_dim3A_25 = arith.constant 1.000000e+00 : f32
    %broadcast_in_dim3A_26 = vector.broadcast %broadcast_in_dim3A_25 : f32 to vector<16xf32>
    %swap3A_27 = arith.constant 64 : index
    %swap3A_28 = tpu.vector_load %arg22[%swap3A_27] {strides = array<i32>} : memref<96xf32, #tpu.memory_space<vmem>>, vector<16xf32>,
    %swap3A_29 = vector.shape_cast %swap3A_28 : vector<16xf32> to vector<16xf32>
    %swap3A_30 = vector.shape_cast %broadcast_in_dim3A_26 : vector<16xf32> to vector<16xf32>
    tpu.vector_store %arg22[%swap3A_27], %swap3A_30 {strides = array<i32>} : memref<96xf32, #tpu.memory_space<vmem>>, vector<16xf32>,
    %broadcast_in_dim3A_31 = arith.constant 1.000000e+00 : f32
    %broadcast_in_dim3A_32 = vector.broadcast %broadcast_in_dim3A_31 : f32 to vector<16xf32>
    %swap3A_33 = arith.constant 80 : index
    %swap3A_34 = tpu.vector_load %arg22[%swap3A_33] {strides = array<i32>} : memref<96xf32, #tpu.memory_space<vmem>>, vector<16xf32>,
    %swap3A_35 = vector.shape_cast %swap3A_34 : vector<16xf32> to vector<16xf32>
    %swap3A_36 = vector.shape_cast %broadcast_in_dim3A_32 : vector<16xf32> to vector<16xf32>
    tpu.vector_store %arg22[%swap3A_33], %swap3A_36 {strides = array<i32>} : memref<96xf32, #tpu.memory_space<vmem>>, vector<16xf32>,
    %barrier3A = arith.constant 0 : index
    tpu.barrier barrier_id(%barrier3A)
    %scan3A = arith.constant 0 : i32
    %scan3A_37 = arith.constant 0 : i32
    %scan3A_38 = arith.constant 7 : i32
    %scan3A_39 = arith.addi %scan3A_37, %scan3A_38 : i32
    %scan3A_40 = arith.constant 1 : i32
    scf.for %scan3A_43 = %scan3A_37 to %scan3A_39 step %scan3A_40  : i32 {
      %mul3A_44 = arith.constant 15 : i32
      %mul3A_45 = arith.muli %scan3A_43, %mul3A_44 : i32
      "tpu.region"() ({
        %run_scoped3A = tpu.sem_alloc : memref<!tpu.dma_semaphore, #tpu.memory_space<semaphore_mem>>
        %dma_start3A_93 = arith.constant 0 : i32
        %dma_start3A_94 = tpu.memref_slice %arg3[%add3A, %mul3A_45, %dma_start3A_93] : memref<32x105x96xi32, #tpu.memory_space<hbm>> -> memref<1x15x96xi32, #tpu.memory_space<hbm>>
        %dma_start3A_95 = tpu.memref_squeeze %dma_start3A_94 : memref<1x15x96xi32, #tpu.memory_space<hbm>> -> memref<15x96xi32, #tpu.memory_space<hbm>>
        %dma_start3A_96 = arith.constant 0 : i32
        %dma_start3A_97 = tpu.memref_slice %arg3[%add3A, %mul3A_45, %dma_start3A_96] : memref<32x105x96xi32, #tpu.memory_space<hbm>> -> memref<1x15x96xi32, #tpu.memory_space<hbm>>
        %dma_start3A_98 = tpu.memref_squeeze %dma_start3A_97 : memref<1x15x96xi32, #tpu.memory_space<hbm>> -> memref<15x96xi32, #tpu.memory_space<hbm>>
        tpu.enqueue_dma source(%dma_start3A_98 : memref<15x96xi32, #tpu.memory_space<hbm>>) target(%arg9 : memref<15x96xi32, #tpu.memory_space<vmem>>) target_semaphore(%run_scoped3A : memref<!tpu.dma_semaphore, #tpu.memory_space<semaphore_mem>>)
        %dma_wait3A_99 = arith.constant 0 : i32
        %dma_wait3A_100 = tpu.memref_slice %arg3[%add3A, %mul3A_45, %dma_wait3A_99] : memref<32x105x96xi32, #tpu.memory_space<hbm>> -> memref<1x15x96xi32, #tpu.memory_space<hbm>>
        %dma_wait3A_101 = tpu.memref_squeeze %dma_wait3A_100 : memref<1x15x96xi32, #tpu.memory_space<hbm>> -> memref<15x96xi32, #tpu.memory_space<hbm>>
        %dma_wait3A_102 = arith.constant 0 : i32
        %dma_wait3A_103 = tpu.memref_slice %arg3[%add3A, %mul3A_45, %dma_wait3A_102] : memref<32x105x96xi32, #tpu.memory_space<hbm>> -> memref<1x15x96xi32, #tpu.memory_space<hbm>>
        %dma_wait3A_104 = tpu.memref_squeeze %dma_wait3A_103 : memref<1x15x96xi32, #tpu.memory_space<hbm>> -> memref<15x96xi32, #tpu.memory_space<hbm>>
        tpu.wait_dma2 semaphore(%run_scoped3A : memref<!tpu.dma_semaphore, #tpu.memory_space<semaphore_mem>>) src(%dma_wait3A_104 : memref<15x96xi32, #tpu.memory_space<hbm>>) dst(%arg9 : memref<15x96xi32, #tpu.memory_space<vmem>>)
        tpu.yield
      }) : () -> ()
      %mul3A_46 = arith.constant 15 : i32
      %mul3A_47 = arith.muli %scan3A_43, %mul3A_46 : i32
      "tpu.region"() ({
        %run_scoped3A = tpu.sem_alloc : memref<!tpu.dma_semaphore, #tpu.memory_space<semaphore_mem>>
        %dma_start3A_93 = arith.constant 0 : i32
        %dma_start3A_94 = tpu.memref_slice %arg4[%add3A, %mul3A_47, %dma_start3A_93] : memref<32x105x96xi32, #tpu.memory_space<hbm>> -> memref<1x15x96xi32, #tpu.memory_space<hbm>>
        %dma_start3A_95 = tpu.memref_squeeze %dma_start3A_94 : memref<1x15x96xi32, #tpu.memory_space<hbm>> -> memref<15x96xi32, #tpu.memory_space<hbm>>
        %dma_start3A_96 = arith.constant 0 : i32
        %dma_start3A_97 = tpu.memref_slice %arg4[%add3A, %mul3A_47, %dma_start3A_96] : memref<32x105x96xi32, #tpu.memory_space<hbm>> -> memref<1x15x96xi32, #tpu.memory_space<hbm>>
        %dma_start3A_98 = tpu.memref_squeeze %dma_start3A_97 : memref<1x15x96xi32, #tpu.memory_space<hbm>> -> memref<15x96xi32, #tpu.memory_space<hbm>>
        tpu.enqueue_dma source(%dma_start3A_98 : memref<15x96xi32, #tpu.memory_space<hbm>>) target(%arg10 : memref<15x96xi32, #tpu.memory_space<vmem>>) target_semaphore(%run_scoped3A : memref<!tpu.dma_semaphore, #tpu.memory_space<semaphore_mem>>)
        %dma_wait3A_99 = arith.constant 0 : i32
        %dma_wait3A_100 = tpu.memref_slice %arg4[%add3A, %mul3A_47, %dma_wait3A_99] : memref<32x105x96xi32, #tpu.memory_space<hbm>> -> memref<1x15x96xi32, #tpu.memory_space<hbm>>
        %dma_wait3A_101 = tpu.memref_squeeze %dma_wait3A_100 : memref<1x15x96xi32, #tpu.memory_space<hbm>> -> memref<15x96xi32, #tpu.memory_space<hbm>>
        %dma_wait3A_102 = arith.constant 0 : i32
        %dma_wait3A_103 = tpu.memref_slice %arg4[%add3A, %mul3A_47, %dma_wait3A_102] : memref<32x105x96xi32, #tpu.memory_space<hbm>> -> memref<1x15x96xi32, #tpu.memory_space<hbm>>
        %dma_wait3A_104 = tpu.memref_squeeze %dma_wait3A_103 : memref<1x15x96xi32, #tpu.memory_space<hbm>> -> memref<15x96xi32, #tpu.memory_space<hbm>>
        tpu.wait_dma2 semaphore(%run_scoped3A : memref<!tpu.dma_semaphore, #tpu.memory_space<semaphore_mem>>) src(%dma_wait3A_104 : memref<15x96xi32, #tpu.memory_space<hbm>>) dst(%arg10 : memref<15x96xi32, #tpu.memory_space<vmem>>)
        tpu.yield
      }) : () -> ()
      %dma_start3A = arith.constant 0 : i32
      %dma_start3A_48 = arith.constant 0 : i32
      %dma_start3A_49 = tpu.memref_slice %arg9[%dma_start3A, %dma_start3A_48] : memref<15x96xi32, #tpu.memory_space<vmem>> -> memref<1x96xi32, #tpu.memory_space<vmem>>
      %dma_start3A_50 = tpu.memref_squeeze %dma_start3A_49 : memref<1x96xi32, #tpu.memory_space<vmem>> -> memref<96xi32, #tpu.memory_space<vmem>>
      %dma_start3A_51 = arith.constant 0 : i32
      %dma_start3A_52 = arith.constant 0 : i32
      %dma_start3A_53 = tpu.memref_slice %arg2[%dma_start3A_51, %dma_start3A_52] : memref<10000x128xf32, #tpu.memory_space<hbm>> -> memref<10000x128xf32, #tpu.memory_space<hbm>>
      tpu.enqueue_indirect_dma source(%dma_start3A_53 : memref<10000x128xf32, #tpu.memory_space<hbm>>) target(%arg11 : memref<96x128xf32, #tpu.memory_space<vmem>>) offsets(%dma_start3A_50 : memref<96xi32, #tpu.memory_space<vmem>>) semaphore(%arg15 : memref<!tpu.dma_semaphore, #tpu.memory_space<semaphore_mem>>)
      %dma_start3A_54 = arith.constant 1 : i32
      %dma_start3A_55 = arith.constant 0 : i32
      %dma_start3A_56 = tpu.memref_slice %arg9[%dma_start3A_54, %dma_start3A_55] : memref<15x96xi32, #tpu.memory_space<vmem>> -> memref<1x96xi32, #tpu.memory_space<vmem>>
      %dma_start3A_57 = tpu.memref_squeeze %dma_start3A_56 : memref<1x96xi32, #tpu.memory_space<vmem>> -> memref<96xi32, #tpu.memory_space<vmem>>
      %dma_start3A_58 = arith.constant 0 : i32
      %dma_start3A_59 = arith.constant 0 : i32
      %dma_start3A_60 = tpu.memref_slice %arg2[%dma_start3A_58, %dma_start3A_59] : memref<10000x128xf32, #tpu.memory_space<hbm>> -> memref<10000x128xf32, #tpu.memory_space<hbm>>
      tpu.enqueue_indirect_dma source(%dma_start3A_60 : memref<10000x128xf32, #tpu.memory_space<hbm>>) target(%arg12 : memref<96x128xf32, #tpu.memory_space<vmem>>) offsets(%dma_start3A_57 : memref<96xi32, #tpu.memory_space<vmem>>) semaphore(%arg16 : memref<!tpu.dma_semaphore, #tpu.memory_space<semaphore_mem>>)
      %scan3A_61 = arith.constant 0 : i32
      %scan3A_62 = arith.constant 0 : i32
      %scan3A_63 = arith.constant 5 : i32
      %scan3A_64 = arith.addi %scan3A_62, %scan3A_63 : i32
      %scan3A_65 = arith.constant 1 : i32
      scf.for %scan3A_93 = %scan3A_62 to %scan3A_64 step %scan3A_65  : i32 {
        %mul3A_94 = arith.constant 3 : i32
        %mul3A_95 = arith.muli %mul3A_94, %scan3A_93 : i32
        %add3A_96 = arith.constant 0 : i32
        %add3A_97 = arith.addi %mul3A_95, %add3A_96 : i32
        %dma_wait3A_98 = arith.constant 0 : i32
        %dma_wait3A_99 = tpu.memref_slice %arg9[%add3A_97, %dma_wait3A_98] : memref<15x96xi32, #tpu.memory_space<vmem>> -> memref<1x96xi32, #tpu.memory_space<vmem>>
        %dma_wait3A_100 = tpu.memref_squeeze %dma_wait3A_99 : memref<1x96xi32, #tpu.memory_space<vmem>> -> memref<96xi32, #tpu.memory_space<vmem>>
        %dma_wait3A_101 = arith.constant 0 : i32
        %dma_wait3A_102 = arith.constant 0 : i32
        %dma_wait3A_103 = tpu.memref_slice %arg2[%dma_wait3A_101, %dma_wait3A_102] : memref<10000x128xf32, #tpu.memory_space<hbm>> -> memref<10000x128xf32, #tpu.memory_space<hbm>>
        tpu.wait_indirect_dma semaphore(%arg15 : memref<!tpu.dma_semaphore, #tpu.memory_space<semaphore_mem>>) src(%dma_wait3A_103 : memref<10000x128xf32, #tpu.memory_space<hbm>>) dst(%arg11 : memref<96x128xf32, #tpu.memory_space<vmem>>)
        %dma_start3A_104 = arith.constant 0 : i32
        %dma_start3A_105 = tpu.memref_slice %arg10[%add3A_97, %dma_start3A_104] : memref<15x96xi32, #tpu.memory_space<vmem>> -> memref<1x96xi32, #tpu.memory_space<vmem>>
        %dma_start3A_106 = tpu.memref_squeeze %dma_start3A_105 : memref<1x96xi32, #tpu.memory_space<vmem>> -> memref<96xi32, #tpu.memory_space<vmem>>
        %dma_start3A_107 = arith.constant 0 : i32
        %dma_start3A_108 = arith.constant 0 : i32
        %dma_start3A_109 = tpu.memref_slice %arg14[%dma_start3A_107, %dma_start3A_108] : memref<10240x128xf32, #tpu.memory_space<vmem_shared>> -> memref<10240x128xf32, #tpu.memory_space<vmem_shared>>
        tpu.enqueue_indirect_dma source(%arg11 : memref<96x128xf32, #tpu.memory_space<vmem>>) target(%dma_start3A_109 : memref<10240x128xf32, #tpu.memory_space<vmem_shared>>) offsets(%dma_start3A_106 : memref<96xi32, #tpu.memory_space<vmem>>) semaphore(%arg18 : memref<!tpu.dma_semaphore, #tpu.memory_space<semaphore_mem>>) {add = true}
        %ge3A = arith.constant 1 : i32
        %ge3A_110 = arith.cmpi sge, %add3A_97, %ge3A : i32
        %convert_element_type3A = arith.extui %ge3A_110 : i1 to i32
        %cond3A = arith.constant 0 : i32
        %cond3A_111 = arith.cmpi ne, %convert_element_type3A, %cond3A : i32
        scf.if %cond3A_111 {
          %dma_wait3A_218 = arith.constant 0 : i32
          %dma_wait3A_219 = arith.constant 0 : i32
          %dma_wait3A_220 = tpu.memref_slice %arg10[%dma_wait3A_218, %dma_wait3A_219] : memref<15x96xi32, #tpu.memory_space<vmem>> -> memref<1x96xi32, #tpu.memory_space<vmem>>
          %dma_wait3A_221 = tpu.memref_squeeze %dma_wait3A_220 : memref<1x96xi32, #tpu.memory_space<vmem>> -> memref<96xi32, #tpu.memory_space<vmem>>
          %dma_wait3A_222 = arith.constant 0 : i32
          %dma_wait3A_223 = tpu.memref_slice %arg23[%dma_wait3A_222] : memref<10240xf32, #tpu.memory_space<vmem_shared>> -> memref<10240xf32, #tpu.memory_space<vmem_shared>>
          tpu.wait_indirect_dma semaphore(%arg21 : memref<!tpu.dma_semaphore, #tpu.memory_space<semaphore_mem>>) src(%arg22 : memref<96xf32, #tpu.memory_space<vmem>>) dst(%dma_wait3A_223 : memref<10240xf32, #tpu.memory_space<vmem_shared>>)
        } else {
        }
        %dma_start3A_112 = arith.constant 0 : i32
        %dma_start3A_113 = tpu.memref_slice %arg10[%add3A_97, %dma_start3A_112] : memref<15x96xi32, #tpu.memory_space<vmem>> -> memref<1x96xi32, #tpu.memory_space<vmem>>
        %dma_start3A_114 = tpu.memref_squeeze %dma_start3A_113 : memref<1x96xi32, #tpu.memory_space<vmem>> -> memref<96xi32, #tpu.memory_space<vmem>>
        %dma_start3A_115 = arith.constant 0 : i32
        %dma_start3A_116 = tpu.memref_slice %arg23[%dma_start3A_115] : memref<10240xf32, #tpu.memory_space<vmem_shared>> -> memref<10240xf32, #tpu.memory_space<vmem_shared>>
        tpu.enqueue_indirect_dma source(%arg22 : memref<96xf32, #tpu.memory_space<vmem>>) target(%dma_start3A_116 : memref<10240xf32, #tpu.memory_space<vmem_shared>>) offsets(%dma_start3A_114 : memref<96xi32, #tpu.memory_space<vmem>>) semaphore(%arg21 : memref<!tpu.dma_semaphore, #tpu.memory_space<semaphore_mem>>) {add = true}
        %ge3A_117 = arith.constant 1 : i32
        %ge3A_118 = arith.cmpi sge, %add3A_97, %ge3A_117 : i32
        %add3A_119 = arith.constant 2 : i32
        %add3A_120 = arith.addi %add3A_97, %add3A_119 : i32
        %lt3A = arith.constant 15 : i32
        %lt3A_121 = arith.cmpi slt, %add3A_120, %lt3A : i32
        %and3A = arith.andi %ge3A_118, %lt3A_121 : i1
        %convert_element_type3A_122 = arith.extui %and3A : i1 to i32
        %cond3A_123 = arith.constant 0 : i32
        %cond3A_124 = arith.cmpi ne, %convert_element_type3A_122, %cond3A_123 : i32
        scf.if %cond3A_124 {
          %dma_wait3A_218 = arith.constant 0 : i32
          %dma_wait3A_219 = arith.constant 0 : i32
          %dma_wait3A_220 = tpu.memref_slice %arg10[%dma_wait3A_218, %dma_wait3A_219] : memref<15x96xi32, #tpu.memory_space<vmem>> -> memref<1x96xi32, #tpu.memory_space<vmem>>
          %dma_wait3A_221 = tpu.memref_squeeze %dma_wait3A_220 : memref<1x96xi32, #tpu.memory_space<vmem>> -> memref<96xi32, #tpu.memory_space<vmem>>
          %dma_wait3A_222 = arith.constant 0 : i32
          %dma_wait3A_223 = arith.constant 0 : i32
          %dma_wait3A_224 = tpu.memref_slice %arg14[%dma_wait3A_222, %dma_wait3A_223] : memref<10240x128xf32, #tpu.memory_space<vmem_shared>> -> memref<10240x128xf32, #tpu.memory_space<vmem_shared>>
          tpu.wait_indirect_dma semaphore(%arg20 : memref<!tpu.dma_semaphore, #tpu.memory_space<semaphore_mem>>) src(%arg13 : memref<96x128xf32, #tpu.memory_space<vmem>>) dst(%dma_wait3A_224 : memref<10240x128xf32, #tpu.memory_space<vmem_shared>>)
        } else {
        }
        %add3A_125 = arith.constant 2 : i32
        %add3A_126 = arith.addi %add3A_97, %add3A_125 : i32
        %lt3A_127 = arith.constant 15 : i32
        %lt3A_128 = arith.cmpi slt, %add3A_126, %lt3A_127 : i32
        %convert_element_type3A_129 = arith.extui %lt3A_128 : i1 to i32
        %cond3A_130 = arith.constant 0 : i32
        %cond3A_131 = arith.cmpi ne, %convert_element_type3A_129, %cond3A_130 : i32
        scf.if %cond3A_131 {
          %add3A_218 = arith.constant 2 : i32
          %add3A_219 = arith.addi %add3A_97, %add3A_218 : i32
          %dma_start3A_220 = arith.constant 0 : i32
          %dma_start3A_221 = tpu.memref_slice %arg9[%add3A_219, %dma_start3A_220] : memref<15x96xi32, #tpu.memory_space<vmem>> -> memref<1x96xi32, #tpu.memory_space<vmem>>
          %dma_start3A_222 = tpu.memref_squeeze %dma_start3A_221 : memref<1x96xi32, #tpu.memory_space<vmem>> -> memref<96xi32, #tpu.memory_space<vmem>>
          %dma_start3A_223 = arith.constant 0 : i32
          %dma_start3A_224 = arith.constant 0 : i32
          %dma_start3A_225 = tpu.memref_slice %arg2[%dma_start3A_223, %dma_start3A_224] : memref<10000x128xf32, #tpu.memory_space<hbm>> -> memref<10000x128xf32, #tpu.memory_space<hbm>>
          tpu.enqueue_indirect_dma source(%dma_start3A_225 : memref<10000x128xf32, #tpu.memory_space<hbm>>) target(%arg13 : memref<96x128xf32, #tpu.memory_space<vmem>>) offsets(%dma_start3A_222 : memref<96xi32, #tpu.memory_space<vmem>>) semaphore(%arg17 : memref<!tpu.dma_semaphore, #tpu.memory_space<semaphore_mem>>)
        } else {
        }
        %mul3A_132 = arith.constant 3 : i32
        %mul3A_133 = arith.muli %mul3A_132, %scan3A_93 : i32
        %add3A_134 = arith.constant 1 : i32
        %add3A_135 = arith.addi %mul3A_133, %add3A_134 : i32
        %dma_wait3A_136 = arith.constant 0 : i32
        %dma_wait3A_137 = tpu.memref_slice %arg9[%add3A_135, %dma_wait3A_136] : memref<15x96xi32, #tpu.memory_space<vmem>> -> memref<1x96xi32, #tpu.memory_space<vmem>>
        %dma_wait3A_138 = tpu.memref_squeeze %dma_wait3A_137 : memref<1x96xi32, #tpu.memory_space<vmem>> -> memref<96xi32, #tpu.memory_space<vmem>>
        %dma_wait3A_139 = arith.constant 0 : i32
        %dma_wait3A_140 = arith.constant 0 : i32
        %dma_wait3A_141 = tpu.memref_slice %arg2[%dma_wait3A_139, %dma_wait3A_140] : memref<10000x128xf32, #tpu.memory_space<hbm>> -> memref<10000x128xf32, #tpu.memory_space<hbm>>
        tpu.wait_indirect_dma semaphore(%arg16 : memref<!tpu.dma_semaphore, #tpu.memory_space<semaphore_mem>>) src(%dma_wait3A_141 : memref<10000x128xf32, #tpu.memory_space<hbm>>) dst(%arg12 : memref<96x128xf32, #tpu.memory_space<vmem>>)
        %dma_start3A_142 = arith.constant 0 : i32
        %dma_start3A_143 = tpu.memref_slice %arg10[%add3A_135, %dma_start3A_142] : memref<15x96xi32, #tpu.memory_space<vmem>> -> memref<1x96xi32, #tpu.memory_space<vmem>>
        %dma_start3A_144 = tpu.memref_squeeze %dma_start3A_143 : memref<1x96xi32, #tpu.memory_space<vmem>> -> memref<96xi32, #tpu.memory_space<vmem>>
        %dma_start3A_145 = arith.constant 0 : i32
        %dma_start3A_146 = arith.constant 0 : i32
        %dma_start3A_147 = tpu.memref_slice %arg14[%dma_start3A_145, %dma_start3A_146] : memref<10240x128xf32, #tpu.memory_space<vmem_shared>> -> memref<10240x128xf32, #tpu.memory_space<vmem_shared>>
        tpu.enqueue_indirect_dma source(%arg12 : memref<96x128xf32, #tpu.memory_space<vmem>>) target(%dma_start3A_147 : memref<10240x128xf32, #tpu.memory_space<vmem_shared>>) offsets(%dma_start3A_144 : memref<96xi32, #tpu.memory_space<vmem>>) semaphore(%arg19 : memref<!tpu.dma_semaphore, #tpu.memory_space<semaphore_mem>>) {add = true}
        %ge3A_148 = arith.constant 1 : i32
        %ge3A_149 = arith.cmpi sge, %add3A_135, %ge3A_148 : i32
        %convert_element_type3A_150 = arith.extui %ge3A_149 : i1 to i32
        %cond3A_151 = arith.constant 0 : i32
        %cond3A_152 = arith.cmpi ne, %convert_element_type3A_150, %cond3A_151 : i32
        scf.if %cond3A_152 {
          %dma_wait3A_218 = arith.constant 0 : i32
          %dma_wait3A_219 = arith.constant 0 : i32
          %dma_wait3A_220 = tpu.memref_slice %arg10[%dma_wait3A_218, %dma_wait3A_219] : memref<15x96xi32, #tpu.memory_space<vmem>> -> memref<1x96xi32, #tpu.memory_space<vmem>>
          %dma_wait3A_221 = tpu.memref_squeeze %dma_wait3A_220 : memref<1x96xi32, #tpu.memory_space<vmem>> -> memref<96xi32, #tpu.memory_space<vmem>>
          %dma_wait3A_222 = arith.constant 0 : i32
          %dma_wait3A_223 = tpu.memref_slice %arg23[%dma_wait3A_222] : memref<10240xf32, #tpu.memory_space<vmem_shared>> -> memref<10240xf32, #tpu.memory_space<vmem_shared>>
          tpu.wait_indirect_dma semaphore(%arg21 : memref<!tpu.dma_semaphore, #tpu.memory_space<semaphore_mem>>) src(%arg22 : memref<96xf32, #tpu.memory_space<vmem>>) dst(%dma_wait3A_223 : memref<10240xf32, #tpu.memory_space<vmem_shared>>)
        } else {
        }
        %dma_start3A_153 = arith.constant 0 : i32
        %dma_start3A_154 = tpu.memref_slice %arg10[%add3A_135, %dma_start3A_153] : memref<15x96xi32, #tpu.memory_space<vmem>> -> memref<1x96xi32, #tpu.memory_space<vmem>>
        %dma_start3A_155 = tpu.memref_squeeze %dma_start3A_154 : memref<1x96xi32, #tpu.memory_space<vmem>> -> memref<96xi32, #tpu.memory_space<vmem>>
        %dma_start3A_156 = arith.constant 0 : i32
        %dma_start3A_157 = tpu.memref_slice %arg23[%dma_start3A_156] : memref<10240xf32, #tpu.memory_space<vmem_shared>> -> memref<10240xf32, #tpu.memory_space<vmem_shared>>
        tpu.enqueue_indirect_dma source(%arg22 : memref<96xf32, #tpu.memory_space<vmem>>) target(%dma_start3A_157 : memref<10240xf32, #tpu.memory_space<vmem_shared>>) offsets(%dma_start3A_155 : memref<96xi32, #tpu.memory_space<vmem>>) semaphore(%arg21 : memref<!tpu.dma_semaphore, #tpu.memory_space<semaphore_mem>>) {add = true}
        %ge3A_158 = arith.constant 1 : i32
        %ge3A_159 = arith.cmpi sge, %add3A_135, %ge3A_158 : i32
        %add3A_160 = arith.constant 2 : i32
        %add3A_161 = arith.addi %add3A_135, %add3A_160 : i32
        %lt3A_162 = arith.constant 15 : i32
        %lt3A_163 = arith.cmpi slt, %add3A_161, %lt3A_162 : i32
        %and3A_164 = arith.andi %ge3A_159, %lt3A_163 : i1
        %convert_element_type3A_165 = arith.extui %and3A_164 : i1 to i32
        %cond3A_166 = arith.constant 0 : i32
        %cond3A_167 = arith.cmpi ne, %convert_element_type3A_165, %cond3A_166 : i32
        scf.if %cond3A_167 {
          %dma_wait3A_218 = arith.constant 0 : i32
          %dma_wait3A_219 = arith.constant 0 : i32
          %dma_wait3A_220 = tpu.memref_slice %arg10[%dma_wait3A_218, %dma_wait3A_219] : memref<15x96xi32, #tpu.memory_space<vmem>> -> memref<1x96xi32, #tpu.memory_space<vmem>>
          %dma_wait3A_221 = tpu.memref_squeeze %dma_wait3A_220 : memref<1x96xi32, #tpu.memory_space<vmem>> -> memref<96xi32, #tpu.memory_space<vmem>>
          %dma_wait3A_222 = arith.constant 0 : i32
          %dma_wait3A_223 = arith.constant 0 : i32
          %dma_wait3A_224 = tpu.memref_slice %arg14[%dma_wait3A_222, %dma_wait3A_223] : memref<10240x128xf32, #tpu.memory_space<vmem_shared>> -> memref<10240x128xf32, #tpu.memory_space<vmem_shared>>
          tpu.wait_indirect_dma semaphore(%arg18 : memref<!tpu.dma_semaphore, #tpu.memory_space<semaphore_mem>>) src(%arg11 : memref<96x128xf32, #tpu.memory_space<vmem>>) dst(%dma_wait3A_224 : memref<10240x128xf32, #tpu.memory_space<vmem_shared>>)
        } else {
        }
        %add3A_168 = arith.constant 2 : i32
        %add3A_169 = arith.addi %add3A_135, %add3A_168 : i32
        %lt3A_170 = arith.constant 15 : i32
        %lt3A_171 = arith.cmpi slt, %add3A_169, %lt3A_170 : i32
        %convert_element_type3A_172 = arith.extui %lt3A_171 : i1 to i32
        %cond3A_173 = arith.constant 0 : i32
        %cond3A_174 = arith.cmpi ne, %convert_element_type3A_172, %cond3A_173 : i32
        scf.if %cond3A_174 {
          %add3A_218 = arith.constant 2 : i32
          %add3A_219 = arith.addi %add3A_135, %add3A_218 : i32
          %dma_start3A_220 = arith.constant 0 : i32
          %dma_start3A_221 = tpu.memref_slice %arg9[%add3A_219, %dma_start3A_220] : memref<15x96xi32, #tpu.memory_space<vmem>> -> memref<1x96xi32, #tpu.memory_space<vmem>>
          %dma_start3A_222 = tpu.memref_squeeze %dma_start3A_221 : memref<1x96xi32, #tpu.memory_space<vmem>> -> memref<96xi32, #tpu.memory_space<vmem>>
          %dma_start3A_223 = arith.constant 0 : i32
          %dma_start3A_224 = arith.constant 0 : i32
          %dma_start3A_225 = tpu.memref_slice %arg2[%dma_start3A_223, %dma_start3A_224] : memref<10000x128xf32, #tpu.memory_space<hbm>> -> memref<10000x128xf32, #tpu.memory_space<hbm>>
          tpu.enqueue_indirect_dma source(%dma_start3A_225 : memref<10000x128xf32, #tpu.memory_space<hbm>>) target(%arg11 : memref<96x128xf32, #tpu.memory_space<vmem>>) offsets(%dma_start3A_222 : memref<96xi32, #tpu.memory_space<vmem>>) semaphore(%arg15 : memref<!tpu.dma_semaphore, #tpu.memory_space<semaphore_mem>>)
        } else {
        }
        %mul3A_175 = arith.constant 3 : i32
        %mul3A_176 = arith.muli %mul3A_175, %scan3A_93 : i32
        %add3A_177 = arith.constant 2 : i32
        %add3A_178 = arith.addi %mul3A_176, %add3A_177 : i32
        %dma_wait3A_179 = arith.constant 0 : i32
        %dma_wait3A_180 = tpu.memref_slice %arg9[%add3A_178, %dma_wait3A_179] : memref<15x96xi32, #tpu.memory_space<vmem>> -> memref<1x96xi32, #tpu.memory_space<vmem>>
        %dma_wait3A_181 = tpu.memref_squeeze %dma_wait3A_180 : memref<1x96xi32, #tpu.memory_space<vmem>> -> memref<96xi32, #tpu.memory_space<vmem>>
        %dma_wait3A_182 = arith.constant 0 : i32
        %dma_wait3A_183 = arith.constant 0 : i32
        %dma_wait3A_184 = tpu.memref_slice %arg2[%dma_wait3A_182, %dma_wait3A_183] : memref<10000x128xf32, #tpu.memory_space<hbm>> -> memref<10000x128xf32, #tpu.memory_space<hbm>>
        tpu.wait_indirect_dma semaphore(%arg17 : memref<!tpu.dma_semaphore, #tpu.memory_space<semaphore_mem>>) src(%dma_wait3A_184 : memref<10000x128xf32, #tpu.memory_space<hbm>>) dst(%arg13 : memref<96x128xf32, #tpu.memory_space<vmem>>)
        %dma_start3A_185 = arith.constant 0 : i32
        %dma_start3A_186 = tpu.memref_slice %arg10[%add3A_178, %dma_start3A_185] : memref<15x96xi32, #tpu.memory_space<vmem>> -> memref<1x96xi32, #tpu.memory_space<vmem>>
        %dma_start3A_187 = tpu.memref_squeeze %dma_start3A_186 : memref<1x96xi32, #tpu.memory_space<vmem>> -> memref<96xi32, #tpu.memory_space<vmem>>
        %dma_start3A_188 = arith.constant 0 : i32
        %dma_start3A_189 = arith.constant 0 : i32
        %dma_start3A_190 = tpu.memref_slice %arg14[%dma_start3A_188, %dma_start3A_189] : memref<10240x128xf32, #tpu.memory_space<vmem_shared>> -> memref<10240x128xf32, #tpu.memory_space<vmem_shared>>
        tpu.enqueue_indirect_dma source(%arg13 : memref<96x128xf32, #tpu.memory_space<vmem>>) target(%dma_start3A_190 : memref<10240x128xf32, #tpu.memory_space<vmem_shared>>) offsets(%dma_start3A_187 : memref<96xi32, #tpu.memory_space<vmem>>) semaphore(%arg20 : memref<!tpu.dma_semaphore, #tpu.memory_space<semaphore_mem>>) {add = true}
        %ge3A_191 = arith.constant 1 : i32
        %ge3A_192 = arith.cmpi sge, %add3A_178, %ge3A_191 : i32
        %convert_element_type3A_193 = arith.extui %ge3A_192 : i1 to i32
        %cond3A_194 = arith.constant 0 : i32
        %cond3A_195 = arith.cmpi ne, %convert_element_type3A_193, %cond3A_194 : i32
        scf.if %cond3A_195 {
          %dma_wait3A_218 = arith.constant 0 : i32
          %dma_wait3A_219 = arith.constant 0 : i32
          %dma_wait3A_220 = tpu.memref_slice %arg10[%dma_wait3A_218, %dma_wait3A_219] : memref<15x96xi32, #tpu.memory_space<vmem>> -> memref<1x96xi32, #tpu.memory_space<vmem>>
          %dma_wait3A_221 = tpu.memref_squeeze %dma_wait3A_220 : memref<1x96xi32, #tpu.memory_space<vmem>> -> memref<96xi32, #tpu.memory_space<vmem>>
          %dma_wait3A_222 = arith.constant 0 : i32
          %dma_wait3A_223 = tpu.memref_slice %arg23[%dma_wait3A_222] : memref<10240xf32, #tpu.memory_space<vmem_shared>> -> memref<10240xf32, #tpu.memory_space<vmem_shared>>
          tpu.wait_indirect_dma semaphore(%arg21 : memref<!tpu.dma_semaphore, #tpu.memory_space<semaphore_mem>>) src(%arg22 : memref<96xf32, #tpu.memory_space<vmem>>) dst(%dma_wait3A_223 : memref<10240xf32, #tpu.memory_space<vmem_shared>>)
        } else {
        }
        %dma_start3A_196 = arith.constant 0 : i32
        %dma_start3A_197 = tpu.memref_slice %arg10[%add3A_178, %dma_start3A_196] : memref<15x96xi32, #tpu.memory_space<vmem>> -> memref<1x96xi32, #tpu.memory_space<vmem>>
        %dma_start3A_198 = tpu.memref_squeeze %dma_start3A_197 : memref<1x96xi32, #tpu.memory_space<vmem>> -> memref<96xi32, #tpu.memory_space<vmem>>
        %dma_start3A_199 = arith.constant 0 : i32
        %dma_start3A_200 = tpu.memref_slice %arg23[%dma_start3A_199] : memref<10240xf32, #tpu.memory_space<vmem_shared>> -> memref<10240xf32, #tpu.memory_space<vmem_shared>>
        tpu.enqueue_indirect_dma source(%arg22 : memref<96xf32, #tpu.memory_space<vmem>>) target(%dma_start3A_200 : memref<10240xf32, #tpu.memory_space<vmem_shared>>) offsets(%dma_start3A_198 : memref<96xi32, #tpu.memory_space<vmem>>) semaphore(%arg21 : memref<!tpu.dma_semaphore, #tpu.memory_space<semaphore_mem>>) {add = true}
        %ge3A_201 = arith.constant 1 : i32
        %ge3A_202 = arith.cmpi sge, %add3A_178, %ge3A_201 : i32
        %add3A_203 = arith.constant 2 : i32
        %add3A_204 = arith.addi %add3A_178, %add3A_203 : i32
        %lt3A_205 = arith.constant 15 : i32
        %lt3A_206 = arith.cmpi slt, %add3A_204, %lt3A_205 : i32
        %and3A_207 = arith.andi %ge3A_202, %lt3A_206 : i1
        %convert_element_type3A_208 = arith.extui %and3A_207 : i1 to i32
        %cond3A_209 = arith.constant 0 : i32
        %cond3A_210 = arith.cmpi ne, %convert_element_type3A_208, %cond3A_209 : i32
        scf.if %cond3A_210 {
          %dma_wait3A_218 = arith.constant 0 : i32
          %dma_wait3A_219 = arith.constant 0 : i32
          %dma_wait3A_220 = tpu.memref_slice %arg10[%dma_wait3A_218, %dma_wait3A_219] : memref<15x96xi32, #tpu.memory_space<vmem>> -> memref<1x96xi32, #tpu.memory_space<vmem>>
          %dma_wait3A_221 = tpu.memref_squeeze %dma_wait3A_220 : memref<1x96xi32, #tpu.memory_space<vmem>> -> memref<96xi32, #tpu.memory_space<vmem>>
          %dma_wait3A_222 = arith.constant 0 : i32
          %dma_wait3A_223 = arith.constant 0 : i32
          %dma_wait3A_224 = tpu.memref_slice %arg14[%dma_wait3A_222, %dma_wait3A_223] : memref<10240x128xf32, #tpu.memory_space<vmem_shared>> -> memref<10240x128xf32, #tpu.memory_space<vmem_shared>>
          tpu.wait_indirect_dma semaphore(%arg19 : memref<!tpu.dma_semaphore, #tpu.memory_space<semaphore_mem>>) src(%arg12 : memref<96x128xf32, #tpu.memory_space<vmem>>) dst(%dma_wait3A_224 : memref<10240x128xf32, #tpu.memory_space<vmem_shared>>)
        } else {
        }
        %add3A_211 = arith.constant 2 : i32
        %add3A_212 = arith.addi %add3A_178, %add3A_211 : i32
        %lt3A_213 = arith.constant 15 : i32
        %lt3A_214 = arith.cmpi slt, %add3A_212, %lt3A_213 : i32
        %convert_element_type3A_215 = arith.extui %lt3A_214 : i1 to i32
        %cond3A_216 = arith.constant 0 : i32
        %cond3A_217 = arith.cmpi ne, %convert_element_type3A_215, %cond3A_216 : i32
        scf.if %cond3A_217 {
          %add3A_218 = arith.constant 2 : i32
          %add3A_219 = arith.addi %add3A_178, %add3A_218 : i32
          %dma_start3A_220 = arith.constant 0 : i32
          %dma_start3A_221 = tpu.memref_slice %arg9[%add3A_219, %dma_start3A_220] : memref<15x96xi32, #tpu.memory_space<vmem>> -> memref<1x96xi32, #tpu.memory_space<vmem>>
          %dma_start3A_222 = tpu.memref_squeeze %dma_start3A_221 : memref<1x96xi32, #tpu.memory_space<vmem>> -> memref<96xi32, #tpu.memory_space<vmem>>
          %dma_start3A_223 = arith.constant 0 : i32
          %dma_start3A_224 = arith.constant 0 : i32
          %dma_start3A_225 = tpu.memref_slice %arg2[%dma_start3A_223, %dma_start3A_224] : memref<10000x128xf32, #tpu.memory_space<hbm>> -> memref<10000x128xf32, #tpu.memory_space<hbm>>
          tpu.enqueue_indirect_dma source(%dma_start3A_225 : memref<10000x128xf32, #tpu.memory_space<hbm>>) target(%arg12 : memref<96x128xf32, #tpu.memory_space<vmem>>) offsets(%dma_start3A_222 : memref<96xi32, #tpu.memory_space<vmem>>) semaphore(%arg16 : memref<!tpu.dma_semaphore, #tpu.memory_space<semaphore_mem>>)
        } else {
        }
      }
      %scan3A_66 = arith.constant 5 : i32
      %dma_wait3A = arith.constant 0 : i32
      %dma_wait3A_67 = arith.constant 0 : i32
      %dma_wait3A_68 = tpu.memref_slice %arg10[%dma_wait3A, %dma_wait3A_67] : memref<15x96xi32, #tpu.memory_space<vmem>> -> memref<1x96xi32, #tpu.memory_space<vmem>>
      %dma_wait3A_69 = tpu.memref_squeeze %dma_wait3A_68 : memref<1x96xi32, #tpu.memory_space<vmem>> -> memref<96xi32, #tpu.memory_space<vmem>>
      %dma_wait3A_70 = arith.constant 0 : i32
      %dma_wait3A_71 = arith.constant 0 : i32
      %dma_wait3A_72 = tpu.memref_slice %arg14[%dma_wait3A_70, %dma_wait3A_71] : memref<10240x128xf32, #tpu.memory_space<vmem_shared>> -> memref<10240x128xf32, #tpu.memory_space<vmem_shared>>
      tpu.wait_indirect_dma semaphore(%arg18 : memref<!tpu.dma_semaphore, #tpu.memory_space<semaphore_mem>>) src(%arg11 : memref<96x128xf32, #tpu.memory_space<vmem>>) dst(%dma_wait3A_72 : memref<10240x128xf32, #tpu.memory_space<vmem_shared>>)
      %dma_wait3A_73 = arith.constant 0 : i32
      %dma_wait3A_74 = arith.constant 0 : i32
      %dma_wait3A_75 = tpu.memref_slice %arg10[%dma_wait3A_73, %dma_wait3A_74] : memref<15x96xi32, #tpu.memory_space<vmem>> -> memref<1x96xi32, #tpu.memory_space<vmem>>
      %dma_wait3A_76 = tpu.memref_squeeze %dma_wait3A_75 : memref<1x96xi32, #tpu.memory_space<vmem>> -> memref<96xi32, #tpu.memory_space<vmem>>
      %dma_wait3A_77 = arith.constant 0 : i32
      %dma_wait3A_78 = arith.constant 0 : i32
      %dma_wait3A_79 = tpu.memref_slice %arg14[%dma_wait3A_77, %dma_wait3A_78] : memref<10240x128xf32, #tpu.memory_space<vmem_shared>> -> memref<10240x128xf32, #tpu.memory_space<vmem_shared>>
      tpu.wait_indirect_dma semaphore(%arg19 : memref<!tpu.dma_semaphore, #tpu.memory_space<semaphore_mem>>) src(%arg12 : memref<96x128xf32, #tpu.memory_space<vmem>>) dst(%dma_wait3A_79 : memref<10240x128xf32, #tpu.memory_space<vmem_shared>>)
      %dma_wait3A_80 = arith.constant 0 : i32
      %dma_wait3A_81 = arith.constant 0 : i32
      %dma_wait3A_82 = tpu.memref_slice %arg10[%dma_wait3A_80, %dma_wait3A_81] : memref<15x96xi32, #tpu.memory_space<vmem>> -> memref<1x96xi32, #tpu.memory_space<vmem>>
      %dma_wait3A_83 = tpu.memref_squeeze %dma_wait3A_82 : memref<1x96xi32, #tpu.memory_space<vmem>> -> memref<96xi32, #tpu.memory_space<vmem>>
      %dma_wait3A_84 = arith.constant 0 : i32
      %dma_wait3A_85 = arith.constant 0 : i32
      %dma_wait3A_86 = tpu.memref_slice %arg14[%dma_wait3A_84, %dma_wait3A_85] : memref<10240x128xf32, #tpu.memory_space<vmem_shared>> -> memref<10240x128xf32, #tpu.memory_space<vmem_shared>>
      tpu.wait_indirect_dma semaphore(%arg20 : memref<!tpu.dma_semaphore, #tpu.memory_space<semaphore_mem>>) src(%arg13 : memref<96x128xf32, #tpu.memory_space<vmem>>) dst(%dma_wait3A_86 : memref<10240x128xf32, #tpu.memory_space<vmem_shared>>)
      %dma_wait3A_87 = arith.constant 0 : i32
      %dma_wait3A_88 = arith.constant 0 : i32
      %dma_wait3A_89 = tpu.memref_slice %arg10[%dma_wait3A_87, %dma_wait3A_88] : memref<15x96xi32, #tpu.memory_space<vmem>> -> memref<1x96xi32, #tpu.memory_space<vmem>>
      %dma_wait3A_90 = tpu.memref_squeeze %dma_wait3A_89 : memref<1x96xi32, #tpu.memory_space<vmem>> -> memref<96xi32, #tpu.memory_space<vmem>>
      %dma_wait3A_91 = arith.constant 0 : i32
      %dma_wait3A_92 = tpu.memref_slice %arg23[%dma_wait3A_91] : memref<10240xf32, #tpu.memory_space<vmem_shared>> -> memref<10240xf32, #tpu.memory_space<vmem_shared>>
      tpu.wait_indirect_dma semaphore(%arg21 : memref<!tpu.dma_semaphore, #tpu.memory_space<semaphore_mem>>) src(%arg22 : memref<96xf32, #tpu.memory_space<vmem>>) dst(%dma_wait3A_92 : memref<10240xf32, #tpu.memory_space<vmem_shared>>)
    }
    %scan3A_41 = arith.constant 7 : i32
    %barrier3A_42 = arith.constant 0 : index
    tpu.barrier barrier_id(%barrier3A_42)
    "tpu.region"() ({
      %run_scoped3A = tpu.sem_alloc : memref<!tpu.dma_semaphore, #tpu.memory_space<semaphore_mem>>
      %dma_start3A = arith.constant 0 : i32
      %dma_start3A_43 = tpu.memref_slice %arg7[%arg0, %mul3A_2, %dma_start3A] : memref<2x10240x128xf32, #tpu.memory_space<hbm>> -> memref<1x640x128xf32, #tpu.memory_space<hbm>>
      %dma_start3A_44 = tpu.memref_squeeze %dma_start3A_43 : memref<1x640x128xf32, #tpu.memory_space<hbm>> -> memref<640x128xf32, #tpu.memory_space<hbm>>
      %dma_start3A_45 = arith.constant 0 : i32
      %dma_start3A_46 = tpu.memref_slice %arg14[%mul3A_2, %dma_start3A_45] : memref<10240x128xf32, #tpu.memory_space<vmem_shared>> -> memref<640x128xf32, #tpu.memory_space<vmem_shared>>
      tpu.enqueue_dma source(%dma_start3A_46 : memref<640x128xf32, #tpu.memory_space<vmem_shared>>) target(%dma_start3A_44 : memref<640x128xf32, #tpu.memory_space<hbm>>) target_semaphore(%run_scoped3A : memref<!tpu.dma_semaphore, #tpu.memory_space<semaphore_mem>>)
      %dma_wait3A = arith.constant 0 : i32
      %dma_wait3A_47 = tpu.memref_slice %arg7[%arg0, %mul3A_2, %dma_wait3A] : memref<2x10240x128xf32, #tpu.memory_space<hbm>> -> memref<1x640x128xf32, #tpu.memory_space<hbm>>
      %dma_wait3A_48 = tpu.memref_squeeze %dma_wait3A_47 : memref<1x640x128xf32, #tpu.memory_space<hbm>> -> memref<640x128xf32, #tpu.memory_space<hbm>>
      %dma_wait3A_49 = arith.constant 0 : i32
      %dma_wait3A_50 = tpu.memref_slice %arg14[%mul3A_2, %dma_wait3A_49] : memref<10240x128xf32, #tpu.memory_space<vmem_shared>> -> memref<640x128xf32, #tpu.memory_space<vmem_shared>>
      tpu.wait_dma2 semaphore(%run_scoped3A : memref<!tpu.dma_semaphore, #tpu.memory_space<semaphore_mem>>) src(%dma_wait3A_50 : memref<640x128xf32, #tpu.memory_space<vmem_shared>>) dst(%dma_wait3A_48 : memref<640x128xf32, #tpu.memory_space<hbm>>)
      tpu.yield
    }) : () -> ()
    "tpu.region"() ({
      %run_scoped3A = tpu.sem_alloc : memref<!tpu.dma_semaphore, #tpu.memory_space<semaphore_mem>>
      %dma_start3A = tpu.memref_slice %arg8[%arg0, %mul3A_2] : memref<2x10240xf32, #tpu.memory_space<hbm>> -> memref<1x640xf32, #tpu.memory_space<hbm>>
      %dma_start3A_43 = tpu.memref_squeeze %dma_start3A : memref<1x640xf32, #tpu.memory_space<hbm>> -> memref<640xf32, #tpu.memory_space<hbm>>
      %dma_start3A_44 = tpu.memref_slice %arg23[%mul3A_2] : memref<10240xf32, #tpu.memory_space<vmem_shared>> -> memref<640xf32, #tpu.memory_space<vmem_shared>>
      tpu.enqueue_dma source(%dma_start3A_44 : memref<640xf32, #tpu.memory_space<vmem_shared>>) target(%dma_start3A_43 : memref<640xf32, #tpu.memory_space<hbm>>) target_semaphore(%run_scoped3A : memref<!tpu.dma_semaphore, #tpu.memory_space<semaphore_mem>>)
      %dma_wait3A = tpu.memref_slice %arg8[%arg0, %mul3A_2] : memref<2x10240xf32, #tpu.memory_space<hbm>> -> memref<1x640xf32, #tpu.memory_space<hbm>>
      %dma_wait3A_45 = tpu.memref_squeeze %dma_wait3A : memref<1x640xf32, #tpu.memory_space<hbm>> -> memref<640xf32, #tpu.memory_space<hbm>>
      %dma_wait3A_46 = tpu.memref_slice %arg23[%mul3A_2] : memref<10240xf32, #tpu.memory_space<vmem_shared>> -> memref<640xf32, #tpu.memory_space<vmem_shared>>
      tpu.wait_dma2 semaphore(%run_scoped3A : memref<!tpu.dma_semaphore, #tpu.memory_space<semaphore_mem>>) src(%dma_wait3A_46 : memref<640xf32, #tpu.memory_space<vmem_shared>>) dst(%dma_wait3A_45 : memref<640xf32, #tpu.memory_space<hbm>>)
      tpu.yield
    }) : () -> ()
    return
  }
}

#map = affine_map<(d0, d1) -> (0, 0)>
#map1 = affine_map<(d0, d1) -> (0, 0, 0)>
#map2 = affine_map<(d0, d1) -> (0)>
module attributes {stable_mosaic.version = 14 : i64} {
  func.func @body(%arg0: i32, %arg1: i32, %arg2: memref<10240x32xf32, #tpu.memory_space<hbm>>, %arg3: memref<32x105x96xi32, #tpu.memory_space<hbm>>, %arg4: memref<32x105x96xi32, #tpu.memory_space<hbm>>, %arg5: memref<10240x32xf32, #tpu.memory_space<hbm>>, %arg6: memref<10240xf32, #tpu.memory_space<hbm>>, %arg7: memref<2x10240x32xf32, #tpu.memory_space<hbm>>, %arg8: memref<105x96xi32, #tpu.memory_space<vmem>>, %arg9: memref<105x96xi32, #tpu.memory_space<vmem>>, %arg10: memref<96x32xf32, #tpu.memory_space<vmem>>, %arg11: memref<96x32xf32, #tpu.memory_space<vmem>>, %arg12: memref<96x32xf32, #tpu.memory_space<vmem>>, %arg13: memref<10240x32xf32, #tpu.memory_space<vmem_shared>>, %arg14: memref<!tpu.dma_semaphore, #tpu.memory_space<semaphore_mem>>, %arg15: memref<!tpu.dma_semaphore, #tpu.memory_space<semaphore_mem>>, %arg16: memref<!tpu.dma_semaphore, #tpu.memory_space<semaphore_mem>>, %arg17: memref<!tpu.dma_semaphore, #tpu.memory_space<semaphore_mem>>, %arg18: memref<!tpu.dma_semaphore, #tpu.memory_space<semaphore_mem>>, %arg19: memref<!tpu.dma_semaphore, #tpu.memory_space<semaphore_mem>>, %arg20: memref<!tpu.dma_semaphore, #tpu.memory_space<semaphore_mem>>) attributes {dimension_semantics = [#tpu.dimension_semantics<core_parallel>, #tpu.dimension_semantics<subcore_parallel>], iteration_bounds = array<i64: 2, 16>, scalar_prefetch = 0 : i64, scratch_operands = 13 : i64, tpu.core_type = #tpu.core_type<sc_vector_subcore>, window_params = [{transform_indices = #map}, {transform_indices = #map1}, {transform_indices = #map1}, {transform_indices = #map}, {transform_indices = #map2}, {transform_indices = #map1}]} {
    %mul3A = arith.constant 2 : i32
    %mul3A_0 = arith.muli %arg1, %mul3A : i32
    %add3A = arith.addi %mul3A_0, %arg0 : i32
    %mul3A_1 = arith.constant 640 : i32
    %mul3A_2 = arith.muli %arg1, %mul3A_1 : i32
    "tpu.region"() ({
      %run_scoped3A = tpu.sem_alloc : memref<!tpu.dma_semaphore, #tpu.memory_space<semaphore_mem>>
      %dma_start3A_49 = arith.constant 0 : i32
      %dma_start3A_50 = tpu.memref_slice %arg13[%mul3A_2, %dma_start3A_49] : memref<10240x32xf32, #tpu.memory_space<vmem_shared>> -> memref<640x32xf32, #tpu.memory_space<vmem_shared>>
      %dma_start3A_51 = arith.constant 0 : i32
      %dma_start3A_52 = tpu.memref_slice %arg5[%mul3A_2, %dma_start3A_51] : memref<10240x32xf32, #tpu.memory_space<hbm>> -> memref<640x32xf32, #tpu.memory_space<hbm>>
      tpu.enqueue_dma source(%dma_start3A_52 : memref<640x32xf32, #tpu.memory_space<hbm>>) target(%dma_start3A_50 : memref<640x32xf32, #tpu.memory_space<vmem_shared>>) target_semaphore(%run_scoped3A : memref<!tpu.dma_semaphore, #tpu.memory_space<semaphore_mem>>)
      %dma_wait3A_53 = arith.constant 0 : i32
      %dma_wait3A_54 = tpu.memref_slice %arg13[%mul3A_2, %dma_wait3A_53] : memref<10240x32xf32, #tpu.memory_space<vmem_shared>> -> memref<640x32xf32, #tpu.memory_space<vmem_shared>>
      %dma_wait3A_55 = arith.constant 0 : i32
      %dma_wait3A_56 = tpu.memref_slice %arg5[%mul3A_2, %dma_wait3A_55] : memref<10240x32xf32, #tpu.memory_space<hbm>> -> memref<640x32xf32, #tpu.memory_space<hbm>>
      tpu.wait_dma2 semaphore(%run_scoped3A : memref<!tpu.dma_semaphore, #tpu.memory_space<semaphore_mem>>) src(%dma_wait3A_56 : memref<640x32xf32, #tpu.memory_space<hbm>>) dst(%dma_wait3A_54 : memref<640x32xf32, #tpu.memory_space<vmem_shared>>)
      tpu.yield
    }) : () -> ()
    %barrier3A = arith.constant 0 : index
    tpu.barrier barrier_id(%barrier3A)
    %scan3A = arith.constant 0 : i32
    %scan3A_3 = arith.constant 0 : i32
    %mul3A_4 = arith.constant 105 : i32
    %mul3A_5 = arith.muli %scan3A_3, %mul3A_4 : i32
    "tpu.region"() ({
      %run_scoped3A = tpu.sem_alloc : memref<!tpu.dma_semaphore, #tpu.memory_space<semaphore_mem>>
      %dma_start3A_49 = arith.constant 0 : i32
      %dma_start3A_50 = tpu.memref_slice %arg3[%add3A, %mul3A_5, %dma_start3A_49] : memref<32x105x96xi32, #tpu.memory_space<hbm>> -> memref<1x105x96xi32, #tpu.memory_space<hbm>>
      %dma_start3A_51 = tpu.memref_squeeze %dma_start3A_50 : memref<1x105x96xi32, #tpu.memory_space<hbm>> -> memref<105x96xi32, #tpu.memory_space<hbm>>
      %dma_start3A_52 = arith.constant 0 : i32
      %dma_start3A_53 = tpu.memref_slice %arg3[%add3A, %mul3A_5, %dma_start3A_52] : memref<32x105x96xi32, #tpu.memory_space<hbm>> -> memref<1x105x96xi32, #tpu.memory_space<hbm>>
      %dma_start3A_54 = tpu.memref_squeeze %dma_start3A_53 : memref<1x105x96xi32, #tpu.memory_space<hbm>> -> memref<105x96xi32, #tpu.memory_space<hbm>>
      tpu.enqueue_dma source(%dma_start3A_54 : memref<105x96xi32, #tpu.memory_space<hbm>>) target(%arg8 : memref<105x96xi32, #tpu.memory_space<vmem>>) target_semaphore(%run_scoped3A : memref<!tpu.dma_semaphore, #tpu.memory_space<semaphore_mem>>)
      %dma_wait3A_55 = arith.constant 0 : i32
      %dma_wait3A_56 = tpu.memref_slice %arg3[%add3A, %mul3A_5, %dma_wait3A_55] : memref<32x105x96xi32, #tpu.memory_space<hbm>> -> memref<1x105x96xi32, #tpu.memory_space<hbm>>
      %dma_wait3A_57 = tpu.memref_squeeze %dma_wait3A_56 : memref<1x105x96xi32, #tpu.memory_space<hbm>> -> memref<105x96xi32, #tpu.memory_space<hbm>>
      %dma_wait3A_58 = arith.constant 0 : i32
      %dma_wait3A_59 = tpu.memref_slice %arg3[%add3A, %mul3A_5, %dma_wait3A_58] : memref<32x105x96xi32, #tpu.memory_space<hbm>> -> memref<1x105x96xi32, #tpu.memory_space<hbm>>
      %dma_wait3A_60 = tpu.memref_squeeze %dma_wait3A_59 : memref<1x105x96xi32, #tpu.memory_space<hbm>> -> memref<105x96xi32, #tpu.memory_space<hbm>>
      tpu.wait_dma2 semaphore(%run_scoped3A : memref<!tpu.dma_semaphore, #tpu.memory_space<semaphore_mem>>) src(%dma_wait3A_60 : memref<105x96xi32, #tpu.memory_space<hbm>>) dst(%arg8 : memref<105x96xi32, #tpu.memory_space<vmem>>)
      tpu.yield
    }) : () -> ()
    %mul3A_6 = arith.constant 105 : i32
    %mul3A_7 = arith.muli %scan3A_3, %mul3A_6 : i32
    "tpu.region"() ({
      %run_scoped3A = tpu.sem_alloc : memref<!tpu.dma_semaphore, #tpu.memory_space<semaphore_mem>>
      %dma_start3A_49 = arith.constant 0 : i32
      %dma_start3A_50 = tpu.memref_slice %arg4[%add3A, %mul3A_7, %dma_start3A_49] : memref<32x105x96xi32, #tpu.memory_space<hbm>> -> memref<1x105x96xi32, #tpu.memory_space<hbm>>
      %dma_start3A_51 = tpu.memref_squeeze %dma_start3A_50 : memref<1x105x96xi32, #tpu.memory_space<hbm>> -> memref<105x96xi32, #tpu.memory_space<hbm>>
      %dma_start3A_52 = arith.constant 0 : i32
      %dma_start3A_53 = tpu.memref_slice %arg4[%add3A, %mul3A_7, %dma_start3A_52] : memref<32x105x96xi32, #tpu.memory_space<hbm>> -> memref<1x105x96xi32, #tpu.memory_space<hbm>>
      %dma_start3A_54 = tpu.memref_squeeze %dma_start3A_53 : memref<1x105x96xi32, #tpu.memory_space<hbm>> -> memref<105x96xi32, #tpu.memory_space<hbm>>
      tpu.enqueue_dma source(%dma_start3A_54 : memref<105x96xi32, #tpu.memory_space<hbm>>) target(%arg9 : memref<105x96xi32, #tpu.memory_space<vmem>>) target_semaphore(%run_scoped3A : memref<!tpu.dma_semaphore, #tpu.memory_space<semaphore_mem>>)
      %dma_wait3A_55 = arith.constant 0 : i32
      %dma_wait3A_56 = tpu.memref_slice %arg4[%add3A, %mul3A_7, %dma_wait3A_55] : memref<32x105x96xi32, #tpu.memory_space<hbm>> -> memref<1x105x96xi32, #tpu.memory_space<hbm>>
      %dma_wait3A_57 = tpu.memref_squeeze %dma_wait3A_56 : memref<1x105x96xi32, #tpu.memory_space<hbm>> -> memref<105x96xi32, #tpu.memory_space<hbm>>
      %dma_wait3A_58 = arith.constant 0 : i32
      %dma_wait3A_59 = tpu.memref_slice %arg4[%add3A, %mul3A_7, %dma_wait3A_58] : memref<32x105x96xi32, #tpu.memory_space<hbm>> -> memref<1x105x96xi32, #tpu.memory_space<hbm>>
      %dma_wait3A_60 = tpu.memref_squeeze %dma_wait3A_59 : memref<1x105x96xi32, #tpu.memory_space<hbm>> -> memref<105x96xi32, #tpu.memory_space<hbm>>
      tpu.wait_dma2 semaphore(%run_scoped3A : memref<!tpu.dma_semaphore, #tpu.memory_space<semaphore_mem>>) src(%dma_wait3A_60 : memref<105x96xi32, #tpu.memory_space<hbm>>) dst(%arg9 : memref<105x96xi32, #tpu.memory_space<vmem>>)
      tpu.yield
    }) : () -> ()
    %dma_start3A = arith.constant 0 : i32
    %dma_start3A_8 = arith.constant 0 : i32
    %dma_start3A_9 = tpu.memref_slice %arg8[%dma_start3A, %dma_start3A_8] : memref<105x96xi32, #tpu.memory_space<vmem>> -> memref<1x96xi32, #tpu.memory_space<vmem>>
    %dma_start3A_10 = tpu.memref_squeeze %dma_start3A_9 : memref<1x96xi32, #tpu.memory_space<vmem>> -> memref<96xi32, #tpu.memory_space<vmem>>
    %dma_start3A_11 = arith.constant 0 : i32
    %dma_start3A_12 = arith.constant 0 : i32
    %dma_start3A_13 = tpu.memref_slice %arg2[%dma_start3A_11, %dma_start3A_12] : memref<10240x32xf32, #tpu.memory_space<hbm>> -> memref<10240x32xf32, #tpu.memory_space<hbm>>
    tpu.enqueue_indirect_dma source(%dma_start3A_13 : memref<10240x32xf32, #tpu.memory_space<hbm>>) target(%arg10 : memref<96x32xf32, #tpu.memory_space<vmem>>) offsets(%dma_start3A_10 : memref<96xi32, #tpu.memory_space<vmem>>) semaphore(%arg14 : memref<!tpu.dma_semaphore, #tpu.memory_space<semaphore_mem>>)
    %dma_start3A_14 = arith.constant 1 : i32
    %dma_start3A_15 = arith.constant 0 : i32
    %dma_start3A_16 = tpu.memref_slice %arg8[%dma_start3A_14, %dma_start3A_15] : memref<105x96xi32, #tpu.memory_space<vmem>> -> memref<1x96xi32, #tpu.memory_space<vmem>>
    %dma_start3A_17 = tpu.memref_squeeze %dma_start3A_16 : memref<1x96xi32, #tpu.memory_space<vmem>> -> memref<96xi32, #tpu.memory_space<vmem>>
    %dma_start3A_18 = arith.constant 0 : i32
    %dma_start3A_19 = arith.constant 0 : i32
    %dma_start3A_20 = tpu.memref_slice %arg2[%dma_start3A_18, %dma_start3A_19] : memref<10240x32xf32, #tpu.memory_space<hbm>> -> memref<10240x32xf32, #tpu.memory_space<hbm>>
    tpu.enqueue_indirect_dma source(%dma_start3A_20 : memref<10240x32xf32, #tpu.memory_space<hbm>>) target(%arg11 : memref<96x32xf32, #tpu.memory_space<vmem>>) offsets(%dma_start3A_17 : memref<96xi32, #tpu.memory_space<vmem>>) semaphore(%arg15 : memref<!tpu.dma_semaphore, #tpu.memory_space<semaphore_mem>>)
    %scan3A_21 = arith.constant 0 : i32
    %scan3A_22 = arith.constant 0 : i32
    %scan3A_23 = arith.constant 35 : i32
    %scan3A_24 = arith.addi %scan3A_22, %scan3A_23 : i32
    %scan3A_25 = arith.constant 1 : i32
    scf.for %scan3A_49 = %scan3A_22 to %scan3A_24 step %scan3A_25  : i32 {
      %mul3A_50 = arith.constant 3 : i32
      %mul3A_51 = arith.muli %mul3A_50, %scan3A_49 : i32
      %add3A_52 = arith.constant 0 : i32
      %add3A_53 = arith.addi %mul3A_51, %add3A_52 : i32
      %dma_wait3A_54 = arith.constant 0 : i32
      %dma_wait3A_55 = tpu.memref_slice %arg8[%add3A_53, %dma_wait3A_54] : memref<105x96xi32, #tpu.memory_space<vmem>> -> memref<1x96xi32, #tpu.memory_space<vmem>>
      %dma_wait3A_56 = tpu.memref_squeeze %dma_wait3A_55 : memref<1x96xi32, #tpu.memory_space<vmem>> -> memref<96xi32, #tpu.memory_space<vmem>>
      %dma_wait3A_57 = arith.constant 0 : i32
      %dma_wait3A_58 = arith.constant 0 : i32
      %dma_wait3A_59 = tpu.memref_slice %arg2[%dma_wait3A_57, %dma_wait3A_58] : memref<10240x32xf32, #tpu.memory_space<hbm>> -> memref<10240x32xf32, #tpu.memory_space<hbm>>
      tpu.wait_indirect_dma semaphore(%arg14 : memref<!tpu.dma_semaphore, #tpu.memory_space<semaphore_mem>>) src(%dma_wait3A_59 : memref<10240x32xf32, #tpu.memory_space<hbm>>) dst(%arg10 : memref<96x32xf32, #tpu.memory_space<vmem>>)
      %dma_start3A_60 = arith.constant 0 : i32
      %dma_start3A_61 = tpu.memref_slice %arg9[%add3A_53, %dma_start3A_60] : memref<105x96xi32, #tpu.memory_space<vmem>> -> memref<1x96xi32, #tpu.memory_space<vmem>>
      %dma_start3A_62 = tpu.memref_squeeze %dma_start3A_61 : memref<1x96xi32, #tpu.memory_space<vmem>> -> memref<96xi32, #tpu.memory_space<vmem>>
      %dma_start3A_63 = arith.constant 0 : i32
      %dma_start3A_64 = arith.constant 0 : i32
      %dma_start3A_65 = tpu.memref_slice %arg13[%dma_start3A_63, %dma_start3A_64] : memref<10240x32xf32, #tpu.memory_space<vmem_shared>> -> memref<10240x32xf32, #tpu.memory_space<vmem_shared>>
      tpu.enqueue_indirect_dma source(%arg10 : memref<96x32xf32, #tpu.memory_space<vmem>>) target(%dma_start3A_65 : memref<10240x32xf32, #tpu.memory_space<vmem_shared>>) offsets(%dma_start3A_62 : memref<96xi32, #tpu.memory_space<vmem>>) semaphore(%arg17 : memref<!tpu.dma_semaphore, #tpu.memory_space<semaphore_mem>>) {add = true}
      %ge3A = arith.constant 1 : i32
      %ge3A_66 = arith.cmpi sge, %add3A_53, %ge3A : i32
      %add3A_67 = arith.constant 2 : i32
      %add3A_68 = arith.addi %add3A_53, %add3A_67 : i32
      %lt3A = arith.constant 105 : i32
      %lt3A_69 = arith.cmpi slt, %add3A_68, %lt3A : i32
      %and3A = arith.andi %ge3A_66, %lt3A_69 : i1
      %convert_element_type3A = arith.extui %and3A : i1 to i32
      %cond3A = arith.constant 0 : i32
      %cond3A_70 = arith.cmpi ne, %convert_element_type3A, %cond3A : i32
      scf.if %cond3A_70 {
        %dma_wait3A_144 = arith.constant 0 : i32
        %dma_wait3A_145 = arith.constant 0 : i32
        %dma_wait3A_146 = tpu.memref_slice %arg9[%dma_wait3A_144, %dma_wait3A_145] : memref<105x96xi32, #tpu.memory_space<vmem>> -> memref<1x96xi32, #tpu.memory_space<vmem>>
        %dma_wait3A_147 = tpu.memref_squeeze %dma_wait3A_146 : memref<1x96xi32, #tpu.memory_space<vmem>> -> memref<96xi32, #tpu.memory_space<vmem>>
        %dma_wait3A_148 = arith.constant 0 : i32
        %dma_wait3A_149 = arith.constant 0 : i32
        %dma_wait3A_150 = tpu.memref_slice %arg13[%dma_wait3A_148, %dma_wait3A_149] : memref<10240x32xf32, #tpu.memory_space<vmem_shared>> -> memref<10240x32xf32, #tpu.memory_space<vmem_shared>>
        tpu.wait_indirect_dma semaphore(%arg19 : memref<!tpu.dma_semaphore, #tpu.memory_space<semaphore_mem>>) src(%arg12 : memref<96x32xf32, #tpu.memory_space<vmem>>) dst(%dma_wait3A_150 : memref<10240x32xf32, #tpu.memory_space<vmem_shared>>)
      } else {
      }
      %add3A_71 = arith.constant 2 : i32
      %add3A_72 = arith.addi %add3A_53, %add3A_71 : i32
      %lt3A_73 = arith.constant 105 : i32
      %lt3A_74 = arith.cmpi slt, %add3A_72, %lt3A_73 : i32
      %convert_element_type3A_75 = arith.extui %lt3A_74 : i1 to i32
      %cond3A_76 = arith.constant 0 : i32
      %cond3A_77 = arith.cmpi ne, %convert_element_type3A_75, %cond3A_76 : i32
      scf.if %cond3A_77 {
        %add3A_144 = arith.constant 2 : i32
        %add3A_145 = arith.addi %add3A_53, %add3A_144 : i32
        %dma_start3A_146 = arith.constant 0 : i32
        %dma_start3A_147 = tpu.memref_slice %arg8[%add3A_145, %dma_start3A_146] : memref<105x96xi32, #tpu.memory_space<vmem>> -> memref<1x96xi32, #tpu.memory_space<vmem>>
        %dma_start3A_148 = tpu.memref_squeeze %dma_start3A_147 : memref<1x96xi32, #tpu.memory_space<vmem>> -> memref<96xi32, #tpu.memory_space<vmem>>
        %dma_start3A_149 = arith.constant 0 : i32
        %dma_start3A_150 = arith.constant 0 : i32
        %dma_start3A_151 = tpu.memref_slice %arg2[%dma_start3A_149, %dma_start3A_150] : memref<10240x32xf32, #tpu.memory_space<hbm>> -> memref<10240x32xf32, #tpu.memory_space<hbm>>
        tpu.enqueue_indirect_dma source(%dma_start3A_151 : memref<10240x32xf32, #tpu.memory_space<hbm>>) target(%arg12 : memref<96x32xf32, #tpu.memory_space<vmem>>) offsets(%dma_start3A_148 : memref<96xi32, #tpu.memory_space<vmem>>) semaphore(%arg16 : memref<!tpu.dma_semaphore, #tpu.memory_space<semaphore_mem>>)
      } else {
      }
      %mul3A_78 = arith.constant 3 : i32
      %mul3A_79 = arith.muli %mul3A_78, %scan3A_49 : i32
      %add3A_80 = arith.constant 1 : i32
      %add3A_81 = arith.addi %mul3A_79, %add3A_80 : i32
      %dma_wait3A_82 = arith.constant 0 : i32
      %dma_wait3A_83 = tpu.memref_slice %arg8[%add3A_81, %dma_wait3A_82] : memref<105x96xi32, #tpu.memory_space<vmem>> -> memref<1x96xi32, #tpu.memory_space<vmem>>
      %dma_wait3A_84 = tpu.memref_squeeze %dma_wait3A_83 : memref<1x96xi32, #tpu.memory_space<vmem>> -> memref<96xi32, #tpu.memory_space<vmem>>
      %dma_wait3A_85 = arith.constant 0 : i32
      %dma_wait3A_86 = arith.constant 0 : i32
      %dma_wait3A_87 = tpu.memref_slice %arg2[%dma_wait3A_85, %dma_wait3A_86] : memref<10240x32xf32, #tpu.memory_space<hbm>> -> memref<10240x32xf32, #tpu.memory_space<hbm>>
      tpu.wait_indirect_dma semaphore(%arg15 : memref<!tpu.dma_semaphore, #tpu.memory_space<semaphore_mem>>) src(%dma_wait3A_87 : memref<10240x32xf32, #tpu.memory_space<hbm>>) dst(%arg11 : memref<96x32xf32, #tpu.memory_space<vmem>>)
      %dma_start3A_88 = arith.constant 0 : i32
      %dma_start3A_89 = tpu.memref_slice %arg9[%add3A_81, %dma_start3A_88] : memref<105x96xi32, #tpu.memory_space<vmem>> -> memref<1x96xi32, #tpu.memory_space<vmem>>
      %dma_start3A_90 = tpu.memref_squeeze %dma_start3A_89 : memref<1x96xi32, #tpu.memory_space<vmem>> -> memref<96xi32, #tpu.memory_space<vmem>>
      %dma_start3A_91 = arith.constant 0 : i32
      %dma_start3A_92 = arith.constant 0 : i32
      %dma_start3A_93 = tpu.memref_slice %arg13[%dma_start3A_91, %dma_start3A_92] : memref<10240x32xf32, #tpu.memory_space<vmem_shared>> -> memref<10240x32xf32, #tpu.memory_space<vmem_shared>>
      tpu.enqueue_indirect_dma source(%arg11 : memref<96x32xf32, #tpu.memory_space<vmem>>) target(%dma_start3A_93 : memref<10240x32xf32, #tpu.memory_space<vmem_shared>>) offsets(%dma_start3A_90 : memref<96xi32, #tpu.memory_space<vmem>>) semaphore(%arg18 : memref<!tpu.dma_semaphore, #tpu.memory_space<semaphore_mem>>) {add = true}
      %ge3A_94 = arith.constant 1 : i32
      %ge3A_95 = arith.cmpi sge, %add3A_81, %ge3A_94 : i32
      %add3A_96 = arith.constant 2 : i32
      %add3A_97 = arith.addi %add3A_81, %add3A_96 : i32
      %lt3A_98 = arith.constant 105 : i32
      %lt3A_99 = arith.cmpi slt, %add3A_97, %lt3A_98 : i32
      %and3A_100 = arith.andi %ge3A_95, %lt3A_99 : i1
      %convert_element_type3A_101 = arith.extui %and3A_100 : i1 to i32
      %cond3A_102 = arith.constant 0 : i32
      %cond3A_103 = arith.cmpi ne, %convert_element_type3A_101, %cond3A_102 : i32
      scf.if %cond3A_103 {
        %dma_wait3A_144 = arith.constant 0 : i32
        %dma_wait3A_145 = arith.constant 0 : i32
        %dma_wait3A_146 = tpu.memref_slice %arg9[%dma_wait3A_144, %dma_wait3A_145] : memref<105x96xi32, #tpu.memory_space<vmem>> -> memref<1x96xi32, #tpu.memory_space<vmem>>
        %dma_wait3A_147 = tpu.memref_squeeze %dma_wait3A_146 : memref<1x96xi32, #tpu.memory_space<vmem>> -> memref<96xi32, #tpu.memory_space<vmem>>
        %dma_wait3A_148 = arith.constant 0 : i32
        %dma_wait3A_149 = arith.constant 0 : i32
        %dma_wait3A_150 = tpu.memref_slice %arg13[%dma_wait3A_148, %dma_wait3A_149] : memref<10240x32xf32, #tpu.memory_space<vmem_shared>> -> memref<10240x32xf32, #tpu.memory_space<vmem_shared>>
        tpu.wait_indirect_dma semaphore(%arg17 : memref<!tpu.dma_semaphore, #tpu.memory_space<semaphore_mem>>) src(%arg10 : memref<96x32xf32, #tpu.memory_space<vmem>>) dst(%dma_wait3A_150 : memref<10240x32xf32, #tpu.memory_space<vmem_shared>>)
      } else {
      }
      %add3A_104 = arith.constant 2 : i32
      %add3A_105 = arith.addi %add3A_81, %add3A_104 : i32
      %lt3A_106 = arith.constant 105 : i32
      %lt3A_107 = arith.cmpi slt, %add3A_105, %lt3A_106 : i32
      %convert_element_type3A_108 = arith.extui %lt3A_107 : i1 to i32
      %cond3A_109 = arith.constant 0 : i32
      %cond3A_110 = arith.cmpi ne, %convert_element_type3A_108, %cond3A_109 : i32
      scf.if %cond3A_110 {
        %add3A_144 = arith.constant 2 : i32
        %add3A_145 = arith.addi %add3A_81, %add3A_144 : i32
        %dma_start3A_146 = arith.constant 0 : i32
        %dma_start3A_147 = tpu.memref_slice %arg8[%add3A_145, %dma_start3A_146] : memref<105x96xi32, #tpu.memory_space<vmem>> -> memref<1x96xi32, #tpu.memory_space<vmem>>
        %dma_start3A_148 = tpu.memref_squeeze %dma_start3A_147 : memref<1x96xi32, #tpu.memory_space<vmem>> -> memref<96xi32, #tpu.memory_space<vmem>>
        %dma_start3A_149 = arith.constant 0 : i32
        %dma_start3A_150 = arith.constant 0 : i32
        %dma_start3A_151 = tpu.memref_slice %arg2[%dma_start3A_149, %dma_start3A_150] : memref<10240x32xf32, #tpu.memory_space<hbm>> -> memref<10240x32xf32, #tpu.memory_space<hbm>>
        tpu.enqueue_indirect_dma source(%dma_start3A_151 : memref<10240x32xf32, #tpu.memory_space<hbm>>) target(%arg10 : memref<96x32xf32, #tpu.memory_space<vmem>>) offsets(%dma_start3A_148 : memref<96xi32, #tpu.memory_space<vmem>>) semaphore(%arg14 : memref<!tpu.dma_semaphore, #tpu.memory_space<semaphore_mem>>)
      } else {
      }
      %mul3A_111 = arith.constant 3 : i32
      %mul3A_112 = arith.muli %mul3A_111, %scan3A_49 : i32
      %add3A_113 = arith.constant 2 : i32
      %add3A_114 = arith.addi %mul3A_112, %add3A_113 : i32
      %dma_wait3A_115 = arith.constant 0 : i32
      %dma_wait3A_116 = tpu.memref_slice %arg8[%add3A_114, %dma_wait3A_115] : memref<105x96xi32, #tpu.memory_space<vmem>> -> memref<1x96xi32, #tpu.memory_space<vmem>>
      %dma_wait3A_117 = tpu.memref_squeeze %dma_wait3A_116 : memref<1x96xi32, #tpu.memory_space<vmem>> -> memref<96xi32, #tpu.memory_space<vmem>>
      %dma_wait3A_118 = arith.constant 0 : i32
      %dma_wait3A_119 = arith.constant 0 : i32
      %dma_wait3A_120 = tpu.memref_slice %arg2[%dma_wait3A_118, %dma_wait3A_119] : memref<10240x32xf32, #tpu.memory_space<hbm>> -> memref<10240x32xf32, #tpu.memory_space<hbm>>
      tpu.wait_indirect_dma semaphore(%arg16 : memref<!tpu.dma_semaphore, #tpu.memory_space<semaphore_mem>>) src(%dma_wait3A_120 : memref<10240x32xf32, #tpu.memory_space<hbm>>) dst(%arg12 : memref<96x32xf32, #tpu.memory_space<vmem>>)
      %dma_start3A_121 = arith.constant 0 : i32
      %dma_start3A_122 = tpu.memref_slice %arg9[%add3A_114, %dma_start3A_121] : memref<105x96xi32, #tpu.memory_space<vmem>> -> memref<1x96xi32, #tpu.memory_space<vmem>>
      %dma_start3A_123 = tpu.memref_squeeze %dma_start3A_122 : memref<1x96xi32, #tpu.memory_space<vmem>> -> memref<96xi32, #tpu.memory_space<vmem>>
      %dma_start3A_124 = arith.constant 0 : i32
      %dma_start3A_125 = arith.constant 0 : i32
      %dma_start3A_126 = tpu.memref_slice %arg13[%dma_start3A_124, %dma_start3A_125] : memref<10240x32xf32, #tpu.memory_space<vmem_shared>> -> memref<10240x32xf32, #tpu.memory_space<vmem_shared>>
      tpu.enqueue_indirect_dma source(%arg12 : memref<96x32xf32, #tpu.memory_space<vmem>>) target(%dma_start3A_126 : memref<10240x32xf32, #tpu.memory_space<vmem_shared>>) offsets(%dma_start3A_123 : memref<96xi32, #tpu.memory_space<vmem>>) semaphore(%arg19 : memref<!tpu.dma_semaphore, #tpu.memory_space<semaphore_mem>>) {add = true}
      %ge3A_127 = arith.constant 1 : i32
      %ge3A_128 = arith.cmpi sge, %add3A_114, %ge3A_127 : i32
      %add3A_129 = arith.constant 2 : i32
      %add3A_130 = arith.addi %add3A_114, %add3A_129 : i32
      %lt3A_131 = arith.constant 105 : i32
      %lt3A_132 = arith.cmpi slt, %add3A_130, %lt3A_131 : i32
      %and3A_133 = arith.andi %ge3A_128, %lt3A_132 : i1
      %convert_element_type3A_134 = arith.extui %and3A_133 : i1 to i32
      %cond3A_135 = arith.constant 0 : i32
      %cond3A_136 = arith.cmpi ne, %convert_element_type3A_134, %cond3A_135 : i32
      scf.if %cond3A_136 {
        %dma_wait3A_144 = arith.constant 0 : i32
        %dma_wait3A_145 = arith.constant 0 : i32
        %dma_wait3A_146 = tpu.memref_slice %arg9[%dma_wait3A_144, %dma_wait3A_145] : memref<105x96xi32, #tpu.memory_space<vmem>> -> memref<1x96xi32, #tpu.memory_space<vmem>>
        %dma_wait3A_147 = tpu.memref_squeeze %dma_wait3A_146 : memref<1x96xi32, #tpu.memory_space<vmem>> -> memref<96xi32, #tpu.memory_space<vmem>>
        %dma_wait3A_148 = arith.constant 0 : i32
        %dma_wait3A_149 = arith.constant 0 : i32
        %dma_wait3A_150 = tpu.memref_slice %arg13[%dma_wait3A_148, %dma_wait3A_149] : memref<10240x32xf32, #tpu.memory_space<vmem_shared>> -> memref<10240x32xf32, #tpu.memory_space<vmem_shared>>
        tpu.wait_indirect_dma semaphore(%arg18 : memref<!tpu.dma_semaphore, #tpu.memory_space<semaphore_mem>>) src(%arg11 : memref<96x32xf32, #tpu.memory_space<vmem>>) dst(%dma_wait3A_150 : memref<10240x32xf32, #tpu.memory_space<vmem_shared>>)
      } else {
      }
      %add3A_137 = arith.constant 2 : i32
      %add3A_138 = arith.addi %add3A_114, %add3A_137 : i32
      %lt3A_139 = arith.constant 105 : i32
      %lt3A_140 = arith.cmpi slt, %add3A_138, %lt3A_139 : i32
      %convert_element_type3A_141 = arith.extui %lt3A_140 : i1 to i32
      %cond3A_142 = arith.constant 0 : i32
      %cond3A_143 = arith.cmpi ne, %convert_element_type3A_141, %cond3A_142 : i32
      scf.if %cond3A_143 {
        %add3A_144 = arith.constant 2 : i32
        %add3A_145 = arith.addi %add3A_114, %add3A_144 : i32
        %dma_start3A_146 = arith.constant 0 : i32
        %dma_start3A_147 = tpu.memref_slice %arg8[%add3A_145, %dma_start3A_146] : memref<105x96xi32, #tpu.memory_space<vmem>> -> memref<1x96xi32, #tpu.memory_space<vmem>>
        %dma_start3A_148 = tpu.memref_squeeze %dma_start3A_147 : memref<1x96xi32, #tpu.memory_space<vmem>> -> memref<96xi32, #tpu.memory_space<vmem>>
        %dma_start3A_149 = arith.constant 0 : i32
        %dma_start3A_150 = arith.constant 0 : i32
        %dma_start3A_151 = tpu.memref_slice %arg2[%dma_start3A_149, %dma_start3A_150] : memref<10240x32xf32, #tpu.memory_space<hbm>> -> memref<10240x32xf32, #tpu.memory_space<hbm>>
        tpu.enqueue_indirect_dma source(%dma_start3A_151 : memref<10240x32xf32, #tpu.memory_space<hbm>>) target(%arg11 : memref<96x32xf32, #tpu.memory_space<vmem>>) offsets(%dma_start3A_148 : memref<96xi32, #tpu.memory_space<vmem>>) semaphore(%arg15 : memref<!tpu.dma_semaphore, #tpu.memory_space<semaphore_mem>>)
      } else {
      }
    }
    %scan3A_26 = arith.constant 35 : i32
    %dma_wait3A = arith.constant 0 : i32
    %dma_wait3A_27 = arith.constant 0 : i32
    %dma_wait3A_28 = tpu.memref_slice %arg9[%dma_wait3A, %dma_wait3A_27] : memref<105x96xi32, #tpu.memory_space<vmem>> -> memref<1x96xi32, #tpu.memory_space<vmem>>
    %dma_wait3A_29 = tpu.memref_squeeze %dma_wait3A_28 : memref<1x96xi32, #tpu.memory_space<vmem>> -> memref<96xi32, #tpu.memory_space<vmem>>
    %dma_wait3A_30 = arith.constant 0 : i32
    %dma_wait3A_31 = arith.constant 0 : i32
    %dma_wait3A_32 = tpu.memref_slice %arg13[%dma_wait3A_30, %dma_wait3A_31] : memref<10240x32xf32, #tpu.memory_space<vmem_shared>> -> memref<10240x32xf32, #tpu.memory_space<vmem_shared>>
    tpu.wait_indirect_dma semaphore(%arg17 : memref<!tpu.dma_semaphore, #tpu.memory_space<semaphore_mem>>) src(%arg10 : memref<96x32xf32, #tpu.memory_space<vmem>>) dst(%dma_wait3A_32 : memref<10240x32xf32, #tpu.memory_space<vmem_shared>>)
    %dma_wait3A_33 = arith.constant 0 : i32
    %dma_wait3A_34 = arith.constant 0 : i32
    %dma_wait3A_35 = tpu.memref_slice %arg9[%dma_wait3A_33, %dma_wait3A_34] : memref<105x96xi32, #tpu.memory_space<vmem>> -> memref<1x96xi32, #tpu.memory_space<vmem>>
    %dma_wait3A_36 = tpu.memref_squeeze %dma_wait3A_35 : memref<1x96xi32, #tpu.memory_space<vmem>> -> memref<96xi32, #tpu.memory_space<vmem>>
    %dma_wait3A_37 = arith.constant 0 : i32
    %dma_wait3A_38 = arith.constant 0 : i32
    %dma_wait3A_39 = tpu.memref_slice %arg13[%dma_wait3A_37, %dma_wait3A_38] : memref<10240x32xf32, #tpu.memory_space<vmem_shared>> -> memref<10240x32xf32, #tpu.memory_space<vmem_shared>>
    tpu.wait_indirect_dma semaphore(%arg18 : memref<!tpu.dma_semaphore, #tpu.memory_space<semaphore_mem>>) src(%arg11 : memref<96x32xf32, #tpu.memory_space<vmem>>) dst(%dma_wait3A_39 : memref<10240x32xf32, #tpu.memory_space<vmem_shared>>)
    %dma_wait3A_40 = arith.constant 0 : i32
    %dma_wait3A_41 = arith.constant 0 : i32
    %dma_wait3A_42 = tpu.memref_slice %arg9[%dma_wait3A_40, %dma_wait3A_41] : memref<105x96xi32, #tpu.memory_space<vmem>> -> memref<1x96xi32, #tpu.memory_space<vmem>>
    %dma_wait3A_43 = tpu.memref_squeeze %dma_wait3A_42 : memref<1x96xi32, #tpu.memory_space<vmem>> -> memref<96xi32, #tpu.memory_space<vmem>>
    %dma_wait3A_44 = arith.constant 0 : i32
    %dma_wait3A_45 = arith.constant 0 : i32
    %dma_wait3A_46 = tpu.memref_slice %arg13[%dma_wait3A_44, %dma_wait3A_45] : memref<10240x32xf32, #tpu.memory_space<vmem_shared>> -> memref<10240x32xf32, #tpu.memory_space<vmem_shared>>
    tpu.wait_indirect_dma semaphore(%arg19 : memref<!tpu.dma_semaphore, #tpu.memory_space<semaphore_mem>>) src(%arg12 : memref<96x32xf32, #tpu.memory_space<vmem>>) dst(%dma_wait3A_46 : memref<10240x32xf32, #tpu.memory_space<vmem_shared>>)
    %scan3A_47 = arith.constant 1 : i32
    %barrier3A_48 = arith.constant 0 : index
    tpu.barrier barrier_id(%barrier3A_48)
    "tpu.region"() ({
      %run_scoped3A = tpu.sem_alloc : memref<!tpu.dma_semaphore, #tpu.memory_space<semaphore_mem>>
      %dma_start3A_49 = arith.constant 0 : i32
      %dma_start3A_50 = tpu.memref_slice %arg7[%arg0, %mul3A_2, %dma_start3A_49] : memref<2x10240x32xf32, #tpu.memory_space<hbm>> -> memref<1x640x32xf32, #tpu.memory_space<hbm>>
      %dma_start3A_51 = tpu.memref_squeeze %dma_start3A_50 : memref<1x640x32xf32, #tpu.memory_space<hbm>> -> memref<640x32xf32, #tpu.memory_space<hbm>>
      %dma_start3A_52 = arith.constant 0 : i32
      %dma_start3A_53 = tpu.memref_slice %arg13[%mul3A_2, %dma_start3A_52] : memref<10240x32xf32, #tpu.memory_space<vmem_shared>> -> memref<640x32xf32, #tpu.memory_space<vmem_shared>>
      tpu.enqueue_dma source(%dma_start3A_53 : memref<640x32xf32, #tpu.memory_space<vmem_shared>>) target(%dma_start3A_51 : memref<640x32xf32, #tpu.memory_space<hbm>>) target_semaphore(%run_scoped3A : memref<!tpu.dma_semaphore, #tpu.memory_space<semaphore_mem>>)
      %dma_wait3A_54 = arith.constant 0 : i32
      %dma_wait3A_55 = tpu.memref_slice %arg7[%arg0, %mul3A_2, %dma_wait3A_54] : memref<2x10240x32xf32, #tpu.memory_space<hbm>> -> memref<1x640x32xf32, #tpu.memory_space<hbm>>
      %dma_wait3A_56 = tpu.memref_squeeze %dma_wait3A_55 : memref<1x640x32xf32, #tpu.memory_space<hbm>> -> memref<640x32xf32, #tpu.memory_space<hbm>>
      %dma_wait3A_57 = arith.constant 0 : i32
      %dma_wait3A_58 = tpu.memref_slice %arg13[%mul3A_2, %dma_wait3A_57] : memref<10240x32xf32, #tpu.memory_space<vmem_shared>> -> memref<640x32xf32, #tpu.memory_space<vmem_shared>>
      tpu.wait_dma2 semaphore(%run_scoped3A : memref<!tpu.dma_semaphore, #tpu.memory_space<semaphore_mem>>) src(%dma_wait3A_58 : memref<640x32xf32, #tpu.memory_space<vmem_shared>>) dst(%dma_wait3A_56 : memref<640x32xf32, #tpu.memory_space<hbm>>)
      tpu.yield
    }) : () -> ()
    return
  }
}

module attributes {stable_mosaic.version = 14 : i64} {
  func.func @body(%arg0: memref<2x10240x128xf32, #tpu.memory_space<vmem>>, %arg1: memref<10240x128xf32, #tpu.memory_space<vmem>>, %arg2: memref<100x128xf32, #tpu.memory_space<vmem>>, %arg3: memref<100xf32, #tpu.memory_space<vmem>>, %arg4: memref<20x100xf32, #tpu.memory_space<vmem>>, %arg5: memref<10240x32xf32, #tpu.memory_space<vmem>>) attributes {dimension_semantics = [], scalar_prefetch = 0 : i64, scratch_operands = 0 : i64, tpu.core_type = #tpu.core_type<tc>} {
    %get3A = arith.constant 0 : index
    %get3A_0 = arith.constant 0 : index
    %get3A_1 = arith.constant 0 : index
    %get3A_2 = vector.load %arg0[%get3A, %get3A_0, %get3A_1] : memref<2x10240x128xf32, #tpu.memory_space<vmem>>, vector<1x10240x128xf32>
    %get3A_3 = vector.shape_cast %get3A_2 : vector<1x10240x128xf32> to vector<10240x128xf32>
    %get3A_4 = arith.constant 1 : index
    %get3A_5 = arith.constant 0 : index
    %get3A_6 = arith.constant 0 : index
    %get3A_7 = vector.load %arg0[%get3A_4, %get3A_5, %get3A_6] : memref<2x10240x128xf32, #tpu.memory_space<vmem>>, vector<1x10240x128xf32>
    %get3A_8 = vector.shape_cast %get3A_7 : vector<1x10240x128xf32> to vector<10240x128xf32>
    %add3A = arith.addf %get3A_3, %get3A_8 : vector<10240x128xf32>
    %get3A_9 = arith.constant 0 : index
    %get3A_10 = arith.constant 0 : index
    %get3A_11 = vector.load %arg1[%get3A_9, %get3A_10] : memref<10240x128xf32, #tpu.memory_space<vmem>>, vector<10240x128xf32>
    %max3A = arith.constant 1.000000e+00 : f32
    %max3A_12 = vector.broadcast %max3A : f32 to vector<10240x128xf32>
    %max3A_13 = arith.maximumf %get3A_11, %max3A_12 : vector<10240x128xf32>
    %div3A = arith.divf %add3A, %max3A_13 : vector<10240x128xf32>
    %get3A_14 = arith.constant 0 : index
    %get3A_15 = arith.constant 0 : index
    %get3A_16 = vector.load %arg2[%get3A_14, %get3A_15] : memref<100x128xf32, #tpu.memory_space<vmem>>, vector<100x128xf32>
    %dot_general3A = arith.constant dense<0.000000e+00> : vector<10240x100xf32>
    %dot_general3A_17 = tpu.matmul %div3A, %get3A_16, %dot_general3A {dimension_numbers = #tpu.dot_dimension_numbers<[1], [1], [0], [0], [0, 0, 1, 0], [], []>, transpose_lhs_hint = false} : vector<10240x128xf32>, vector<100x128xf32>, vector<10240x100xf32> -> vector<10240x100xf32>
    %get3A_18 = arith.constant 0 : index
    %get3A_19 = vector.load %arg3[%get3A_18] : memref<100xf32, #tpu.memory_space<vmem>>, vector<100xf32>
    %broadcast_in_dim3A = vector.shape_cast %get3A_19 : vector<100xf32> to vector<1x100xf32>
    %add3A_20 = vector.broadcast %broadcast_in_dim3A : vector<1x100xf32> to vector<10240x100xf32>
    %add3A_21 = arith.addf %dot_general3A_17, %add3A_20 : vector<10240x100xf32>
    %max3A_22 = arith.constant 0.000000e+00 : f32
    %max3A_23 = vector.broadcast %max3A_22 : f32 to vector<10240x100xf32>
    %max3A_24 = arith.maximumf %add3A_21, %max3A_23 : vector<10240x100xf32>
    %get3A_25 = arith.constant 0 : index
    %get3A_26 = arith.constant 0 : index
    %get3A_27 = vector.load %arg4[%get3A_25, %get3A_26] : memref<20x100xf32, #tpu.memory_space<vmem>>, vector<20x100xf32>
    %dot_general3A_28 = arith.constant dense<0.000000e+00> : vector<10240x20xf32>
    %dot_general3A_29 = tpu.matmul %max3A_24, %get3A_27, %dot_general3A_28 {dimension_numbers = #tpu.dot_dimension_numbers<[1], [1], [0], [0], [0, 0, 1, 0], [], []>, transpose_lhs_hint = false} : vector<10240x100xf32>, vector<20x100xf32>, vector<10240x20xf32> -> vector<10240x20xf32>
    %broadcast_in_dim3A_30 = arith.constant 0.000000e+00 : f32
    %broadcast_in_dim3A_31 = vector.broadcast %broadcast_in_dim3A_30 : f32 to vector<10240x12xf32>
    %concatenate3A = tpu.concatenate %dot_general3A_29, %broadcast_in_dim3A_31 in 1 : vector<10240x20xf32>, vector<10240x12xf32> -> vector<10240x32xf32>
    %swap3A = arith.constant 0 : index
    %swap3A_32 = arith.constant 0 : index
    %swap3A_33 = vector.load %arg5[%swap3A, %swap3A_32] : memref<10240x32xf32, #tpu.memory_space<vmem>>, vector<10240x32xf32>
    tpu.vector_store %arg5[%swap3A, %swap3A_32], %concatenate3A {strides = array<i32>} : memref<10240x32xf32, #tpu.memory_space<vmem>>, vector<10240x32xf32>,
    return
  }
}

module attributes {stable_mosaic.version = 14 : i64} {
  func.func @body(%arg0: memref<2x10240x32xf32, #tpu.memory_space<vmem>>, %arg1: memref<10240x32xf32, #tpu.memory_space<vmem>>, %arg2: memref<32xf32, #tpu.memory_space<vmem>>, %arg3: memref<10000xi32, #tpu.memory_space<vmem>>, %arg4: memref<128x200xf32, #tpu.memory_space<vmem>>, %arg5: memref<128x300xf32, #tpu.memory_space<vmem>>, %arg6: memref<32x200xf32, #tpu.memory_space<vmem>>, %arg7: memref<20x32xf32, #tpu.memory_space<vmem>>, %arg8: memref<20xf32, #tpu.memory_space<vmem>>, %arg9: memref<20xf32, #tpu.memory_space<vmem>>, %arg10: memref<32x300xf32, #tpu.memory_space<vmem>>, %arg11: memref<20x32xf32, #tpu.memory_space<vmem>>, %arg12: memref<20xf32, #tpu.memory_space<vmem>>, %arg13: memref<20xf32, #tpu.memory_space<vmem>>, %arg14: memref<10x20xf32, #tpu.memory_space<vmem>>, %arg15: memref<10xf32, #tpu.memory_space<vmem>>, %arg16: memref<1x10xf32, #tpu.memory_space<vmem>>, %arg17: memref<1xf32, #tpu.memory_space<vmem>>, %arg18: memref<128x1xf32, #tpu.memory_space<vmem>>) attributes {dimension_semantics = [], scalar_prefetch = 0 : i64, scratch_operands = 0 : i64, tpu.core_type = #tpu.core_type<tc>} {
    %get3A = arith.constant 0 : index
    %get3A_0 = arith.constant 0 : index
    %get3A_1 = arith.constant 0 : index
    %get3A_2 = vector.load %arg0[%get3A, %get3A_0, %get3A_1] : memref<2x10240x32xf32, #tpu.memory_space<vmem>>, vector<1x10240x32xf32>
    %get3A_3 = vector.shape_cast %get3A_2 : vector<1x10240x32xf32> to vector<10240x32xf32>
    %get3A_4 = arith.constant 1 : index
    %get3A_5 = arith.constant 0 : index
    %get3A_6 = arith.constant 0 : index
    %get3A_7 = vector.load %arg0[%get3A_4, %get3A_5, %get3A_6] : memref<2x10240x32xf32, #tpu.memory_space<vmem>>, vector<1x10240x32xf32>
    %get3A_8 = vector.shape_cast %get3A_7 : vector<1x10240x32xf32> to vector<10240x32xf32>
    %add3A = arith.addf %get3A_3, %get3A_8 : vector<10240x32xf32>
    %get3A_9 = arith.constant 0 : index
    %get3A_10 = arith.constant 0 : index
    %get3A_11 = vector.load %arg1[%get3A_9, %get3A_10] : memref<10240x32xf32, #tpu.memory_space<vmem>>, vector<10240x32xf32>
    %max3A = arith.constant 1.000000e+00 : f32
    %max3A_12 = vector.broadcast %max3A : f32 to vector<10240x32xf32>
    %max3A_13 = arith.maximumf %get3A_11, %max3A_12 : vector<10240x32xf32>
    %div3A = arith.divf %add3A, %max3A_13 : vector<10240x32xf32>
    %slice3A = vector.extract_strided_slice %div3A {offsets = [0, 0], sizes = [10000, 32], strides = [1, 1]} : vector<10240x32xf32> to vector<10000x32xf32>
    %get3A_14 = arith.constant 0 : index
    %get3A_15 = vector.load %arg2[%get3A_14] : memref<32xf32, #tpu.memory_space<vmem>>, vector<32xf32>
    %broadcast_in_dim3A = vector.shape_cast %get3A_15 : vector<32xf32> to vector<1x32xf32>
    %add3A_16 = vector.broadcast %broadcast_in_dim3A : vector<1x32xf32> to vector<10000x32xf32>
    %add3A_17 = arith.addf %slice3A, %add3A_16 : vector<10000x32xf32>
    %max3A_18 = arith.constant 0.000000e+00 : f32
    %max3A_19 = vector.broadcast %max3A_18 : f32 to vector<10000x32xf32>
    %max3A_20 = arith.maximumf %add3A_17, %max3A_19 : vector<10000x32xf32>
    %get3A_21 = arith.constant 0 : index
    %get3A_22 = vector.load %arg3[%get3A_21] : memref<10000xi32, #tpu.memory_space<vmem>>, vector<10000xi32>
    %iota3A = tpu.iota {dimensions = array<i32: 0>} : vector<128x10000xi32>
    %broadcast_in_dim3A_23 = vector.shape_cast %get3A_22 : vector<10000xi32> to vector<1x10000xi32>
    %eq3A = vector.broadcast %broadcast_in_dim3A_23 : vector<1x10000xi32> to vector<128x10000xi32>
    %eq3A_24 = arith.cmpi eq, %iota3A, %eq3A : vector<128x10000xi32>
    %convert_element_type3A = arith.extui %eq3A_24 : vector<128x10000xi1> to vector<128x10000xi32>
    %convert_element_type3A_25 = arith.sitofp %convert_element_type3A : vector<128x10000xi32> to vector<128x10000xf32>
    %reduce_sum3A = arith.constant dense<0.000000e+00> : vector<128xf32>
    %reduce_sum3A_26 = vector.multi_reduction <add>, %convert_element_type3A_25, %reduce_sum3A [1] : vector<128x10000xf32> to vector<128xf32>
    %broadcast_in_dim3A_27 = vector.shape_cast %reduce_sum3A_26 : vector<128xf32> to vector<128x1xf32>
    %dot_general3A = arith.constant dense<0.000000e+00> : vector<128x32xf32>
    %dot_general3A_28 = tpu.matmul %convert_element_type3A_25, %max3A_20, %dot_general3A {dimension_numbers = #tpu.dot_dimension_numbers<[1], [0], [0], [1], [0, 0, 1, 1], [], []>, transpose_lhs_hint = false} : vector<128x10000xf32>, vector<10000x32xf32>, vector<128x32xf32> -> vector<128x32xf32>
    %slice3A_29 = vector.extract_strided_slice %dot_general3A_28 {offsets = [0, 0], sizes = [128, 20], strides = [1, 1]} : vector<128x32xf32> to vector<128x20xf32>
    %max3A_30 = arith.constant 1.000000e+00 : f32
    %max3A_31 = vector.broadcast %max3A_30 : f32 to vector<128x1xf32>
    %max3A_32 = arith.maximumf %broadcast_in_dim3A_27, %max3A_31 : vector<128x1xf32>
    %div3A_33 = vector.broadcast %max3A_32 : vector<128x1xf32> to vector<128x20xf32>
    %div3A_34 = arith.divf %slice3A_29, %div3A_33 : vector<128x20xf32>
    %get3A_35 = arith.constant 0 : index
    %get3A_36 = arith.constant 0 : index
    %get3A_37 = vector.load %arg4[%get3A_35, %get3A_36] : memref<128x200xf32, #tpu.memory_space<vmem>>, vector<128x200xf32>
    %get3A_38 = arith.constant 0 : index
    %get3A_39 = arith.constant 0 : index
    %get3A_40 = vector.load %arg6[%get3A_38, %get3A_39] : memref<32x200xf32, #tpu.memory_space<vmem>>, vector<32x200xf32>
    %get3A_41 = arith.constant 0 : index
    %get3A_42 = arith.constant 0 : index
    %get3A_43 = vector.load %arg7[%get3A_41, %get3A_42] : memref<20x32xf32, #tpu.memory_space<vmem>>, vector<20x32xf32>
    %dot_general3A_44 = arith.constant dense<0.000000e+00> : vector<128x32xf32>
    %dot_general3A_45 = tpu.matmul %get3A_37, %get3A_40, %dot_general3A_44 {dimension_numbers = #tpu.dot_dimension_numbers<[1], [1], [0], [0], [0, 0, 1, 0], [], []>, transpose_lhs_hint = false} : vector<128x200xf32>, vector<32x200xf32>, vector<128x32xf32> -> vector<128x32xf32>
    %dot_general3A_46 = arith.constant dense<0.000000e+00> : vector<128x20xf32>
    %dot_general3A_47 = tpu.matmul %dot_general3A_45, %get3A_43, %dot_general3A_46 {dimension_numbers = #tpu.dot_dimension_numbers<[1], [1], [0], [0], [0, 0, 1, 0], [], []>, transpose_lhs_hint = false} : vector<128x32xf32>, vector<20x32xf32>, vector<128x20xf32> -> vector<128x20xf32>
    %add3A_48 = arith.addf %div3A_34, %dot_general3A_47 : vector<128x20xf32>
    %get3A_49 = arith.constant 0 : index
    %get3A_50 = vector.load %arg8[%get3A_49] : memref<20xf32, #tpu.memory_space<vmem>>, vector<20xf32>
    %get3A_51 = arith.constant 0 : index
    %get3A_52 = vector.load %arg9[%get3A_51] : memref<20xf32, #tpu.memory_space<vmem>>, vector<20xf32>
    %reduce_sum3A_53 = arith.constant dense<0.000000e+00> : vector<128xf32>
    %reduce_sum3A_54 = vector.multi_reduction <add>, %add3A_48, %reduce_sum3A_53 [1] : vector<128x20xf32> to vector<128xf32>
    %broadcast_in_dim3A_55 = vector.shape_cast %reduce_sum3A_54 : vector<128xf32> to vector<128x1xf32>
    %div3A_56 = arith.constant 2.000000e+01 : f32
    %div3A_57 = vector.broadcast %div3A_56 : f32 to vector<128x1xf32>
    %div3A_58 = arith.divf %broadcast_in_dim3A_55, %div3A_57 : vector<128x1xf32>
    %sub3A = vector.broadcast %div3A_58 : vector<128x1xf32> to vector<128x20xf32>
    %sub3A_59 = arith.subf %add3A_48, %sub3A : vector<128x20xf32>
    %integer_pow3A = arith.mulf %sub3A_59, %sub3A_59 : vector<128x20xf32>
    %reduce_sum3A_60 = arith.constant dense<0.000000e+00> : vector<128xf32>
    %reduce_sum3A_61 = vector.multi_reduction <add>, %integer_pow3A, %reduce_sum3A_60 [1] : vector<128x20xf32> to vector<128xf32>
    %broadcast_in_dim3A_62 = vector.shape_cast %reduce_sum3A_61 : vector<128xf32> to vector<128x1xf32>
    %div3A_63 = arith.constant 2.000000e+01 : f32
    %div3A_64 = vector.broadcast %div3A_63 : f32 to vector<128x1xf32>
    %div3A_65 = arith.divf %broadcast_in_dim3A_62, %div3A_64 : vector<128x1xf32>
    %sub3A_66 = vector.broadcast %div3A_58 : vector<128x1xf32> to vector<128x20xf32>
    %sub3A_67 = arith.subf %add3A_48, %sub3A_66 : vector<128x20xf32>
    %add3A_68 = arith.constant 9.99999974E-6 : f32
    %add3A_69 = vector.broadcast %add3A_68 : f32 to vector<128x1xf32>
    %add3A_70 = arith.addf %div3A_65, %add3A_69 : vector<128x1xf32>
    %sqrt3A = math.sqrt %add3A_70 : vector<128x1xf32>
    %div3A_71 = vector.broadcast %sqrt3A : vector<128x1xf32> to vector<128x20xf32>
    %div3A_72 = arith.divf %sub3A_67, %div3A_71 : vector<128x20xf32>
    %broadcast_in_dim3A_73 = vector.shape_cast %get3A_50 : vector<20xf32> to vector<1x20xf32>
    %mul3A = vector.broadcast %broadcast_in_dim3A_73 : vector<1x20xf32> to vector<128x20xf32>
    %mul3A_74 = arith.mulf %div3A_72, %mul3A : vector<128x20xf32>
    %broadcast_in_dim3A_75 = vector.shape_cast %get3A_52 : vector<20xf32> to vector<1x20xf32>
    %add3A_76 = vector.broadcast %broadcast_in_dim3A_75 : vector<1x20xf32> to vector<128x20xf32>
    %add3A_77 = arith.addf %mul3A_74, %add3A_76 : vector<128x20xf32>
    %get3A_78 = arith.constant 0 : index
    %get3A_79 = arith.constant 0 : index
    %get3A_80 = vector.load %arg5[%get3A_78, %get3A_79] : memref<128x300xf32, #tpu.memory_space<vmem>>, vector<128x300xf32>
    %get3A_81 = arith.constant 0 : index
    %get3A_82 = arith.constant 0 : index
    %get3A_83 = vector.load %arg10[%get3A_81, %get3A_82] : memref<32x300xf32, #tpu.memory_space<vmem>>, vector<32x300xf32>
    %get3A_84 = arith.constant 0 : index
    %get3A_85 = arith.constant 0 : index
    %get3A_86 = vector.load %arg11[%get3A_84, %get3A_85] : memref<20x32xf32, #tpu.memory_space<vmem>>, vector<20x32xf32>
    %dot_general3A_87 = arith.constant dense<0.000000e+00> : vector<128x32xf32>
    %dot_general3A_88 = tpu.matmul %get3A_80, %get3A_83, %dot_general3A_87 {dimension_numbers = #tpu.dot_dimension_numbers<[1], [1], [0], [0], [0, 0, 1, 0], [], []>, transpose_lhs_hint = false} : vector<128x300xf32>, vector<32x300xf32>, vector<128x32xf32> -> vector<128x32xf32>
    %dot_general3A_89 = arith.constant dense<0.000000e+00> : vector<128x20xf32>
    %dot_general3A_90 = tpu.matmul %dot_general3A_88, %get3A_86, %dot_general3A_89 {dimension_numbers = #tpu.dot_dimension_numbers<[1], [1], [0], [0], [0, 0, 1, 0], [], []>, transpose_lhs_hint = false} : vector<128x32xf32>, vector<20x32xf32>, vector<128x20xf32> -> vector<128x20xf32>
    %add3A_91 = arith.addf %add3A_77, %dot_general3A_90 : vector<128x20xf32>
    %get3A_92 = arith.constant 0 : index
    %get3A_93 = vector.load %arg12[%get3A_92] : memref<20xf32, #tpu.memory_space<vmem>>, vector<20xf32>
    %get3A_94 = arith.constant 0 : index
    %get3A_95 = vector.load %arg13[%get3A_94] : memref<20xf32, #tpu.memory_space<vmem>>, vector<20xf32>
    %reduce_sum3A_96 = arith.constant dense<0.000000e+00> : vector<128xf32>
    %reduce_sum3A_97 = vector.multi_reduction <add>, %add3A_91, %reduce_sum3A_96 [1] : vector<128x20xf32> to vector<128xf32>
    %broadcast_in_dim3A_98 = vector.shape_cast %reduce_sum3A_97 : vector<128xf32> to vector<128x1xf32>
    %div3A_99 = arith.constant 2.000000e+01 : f32
    %div3A_100 = vector.broadcast %div3A_99 : f32 to vector<128x1xf32>
    %div3A_101 = arith.divf %broadcast_in_dim3A_98, %div3A_100 : vector<128x1xf32>
    %sub3A_102 = vector.broadcast %div3A_101 : vector<128x1xf32> to vector<128x20xf32>
    %sub3A_103 = arith.subf %add3A_91, %sub3A_102 : vector<128x20xf32>
    %integer_pow3A_104 = arith.mulf %sub3A_103, %sub3A_103 : vector<128x20xf32>
    %reduce_sum3A_105 = arith.constant dense<0.000000e+00> : vector<128xf32>
    %reduce_sum3A_106 = vector.multi_reduction <add>, %integer_pow3A_104, %reduce_sum3A_105 [1] : vector<128x20xf32> to vector<128xf32>
    %broadcast_in_dim3A_107 = vector.shape_cast %reduce_sum3A_106 : vector<128xf32> to vector<128x1xf32>
    %div3A_108 = arith.constant 2.000000e+01 : f32
    %div3A_109 = vector.broadcast %div3A_108 : f32 to vector<128x1xf32>
    %div3A_110 = arith.divf %broadcast_in_dim3A_107, %div3A_109 : vector<128x1xf32>
    %sub3A_111 = vector.broadcast %div3A_101 : vector<128x1xf32> to vector<128x20xf32>
    %sub3A_112 = arith.subf %add3A_91, %sub3A_111 : vector<128x20xf32>
    %add3A_113 = arith.constant 9.99999974E-6 : f32
    %add3A_114 = vector.broadcast %add3A_113 : f32 to vector<128x1xf32>
    %add3A_115 = arith.addf %div3A_110, %add3A_114 : vector<128x1xf32>
    %sqrt3A_116 = math.sqrt %add3A_115 : vector<128x1xf32>
    %div3A_117 = vector.broadcast %sqrt3A_116 : vector<128x1xf32> to vector<128x20xf32>
    %div3A_118 = arith.divf %sub3A_112, %div3A_117 : vector<128x20xf32>
    %broadcast_in_dim3A_119 = vector.shape_cast %get3A_93 : vector<20xf32> to vector<1x20xf32>
    %mul3A_120 = vector.broadcast %broadcast_in_dim3A_119 : vector<1x20xf32> to vector<128x20xf32>
    %mul3A_121 = arith.mulf %div3A_118, %mul3A_120 : vector<128x20xf32>
    %broadcast_in_dim3A_122 = vector.shape_cast %get3A_95 : vector<20xf32> to vector<1x20xf32>
    %add3A_123 = vector.broadcast %broadcast_in_dim3A_122 : vector<1x20xf32> to vector<128x20xf32>
    %add3A_124 = arith.addf %mul3A_121, %add3A_123 : vector<128x20xf32>
    %get3A_125 = arith.constant 0 : index
    %get3A_126 = arith.constant 0 : index
    %get3A_127 = vector.load %arg14[%get3A_125, %get3A_126] : memref<10x20xf32, #tpu.memory_space<vmem>>, vector<10x20xf32>
    %dot_general3A_128 = arith.constant dense<0.000000e+00> : vector<128x10xf32>
    %dot_general3A_129 = tpu.matmul %add3A_124, %get3A_127, %dot_general3A_128 {dimension_numbers = #tpu.dot_dimension_numbers<[1], [1], [0], [0], [0, 0, 1, 0], [], []>, transpose_lhs_hint = false} : vector<128x20xf32>, vector<10x20xf32>, vector<128x10xf32> -> vector<128x10xf32>
    %get3A_130 = arith.constant 0 : index
    %get3A_131 = vector.load %arg15[%get3A_130] : memref<10xf32, #tpu.memory_space<vmem>>, vector<10xf32>
    %broadcast_in_dim3A_132 = vector.shape_cast %get3A_131 : vector<10xf32> to vector<1x10xf32>
    %add3A_133 = vector.broadcast %broadcast_in_dim3A_132 : vector<1x10xf32> to vector<128x10xf32>
    %add3A_134 = arith.addf %dot_general3A_129, %add3A_133 : vector<128x10xf32>
    %max3A_135 = arith.constant 0.000000e+00 : f32
    %max3A_136 = vector.broadcast %max3A_135 : f32 to vector<128x10xf32>
    %max3A_137 = arith.maximumf %add3A_134, %max3A_136 : vector<128x10xf32>
    %get3A_138 = arith.constant 0 : index
    %get3A_139 = arith.constant 0 : index
    %get3A_140 = vector.load %arg16[%get3A_138, %get3A_139] : memref<1x10xf32, #tpu.memory_space<vmem>>, vector<1x10xf32>
    %mul3A_141 = vector.broadcast %get3A_140 : vector<1x10xf32> to vector<128x10xf32>
    %mul3A_142 = arith.mulf %max3A_137, %mul3A_141 : vector<128x10xf32>
    %reduce_sum3A_143 = arith.constant dense<0.000000e+00> : vector<128xf32>
    %reduce_sum3A_144 = vector.multi_reduction <add>, %mul3A_142, %reduce_sum3A_143 [1] : vector<128x10xf32> to vector<128xf32>
    %broadcast_in_dim3A_145 = vector.shape_cast %reduce_sum3A_144 : vector<128xf32> to vector<128x1xf32>
    %get3A_146 = arith.constant 0 : index
    %get3A_147 = vector.load %arg17[%get3A_146] : memref<1xf32, #tpu.memory_space<vmem>>, vector<1xf32>
    %get3A_148 = vector.extract %get3A_147[0] : f32 from vector<1xf32>
    %add3A_149 = vector.broadcast %get3A_148 : f32 to vector<128x1xf32>
    %add3A_150 = arith.addf %broadcast_in_dim3A_145, %add3A_149 : vector<128x1xf32>
    %swap3A = arith.constant 0 : index
    %swap3A_151 = arith.constant 0 : index
    %swap3A_152 = vector.load %arg18[%swap3A, %swap3A_151] : memref<128x1xf32, #tpu.memory_space<vmem>>, vector<128x1xf32>
    tpu.vector_store %arg18[%swap3A, %swap3A_151], %add3A_150 {strides = array<i32>} : memref<128x1xf32, #tpu.memory_space<vmem>>, vector<128x1xf32>,
    return
  }
}

</mosaic_0001>

<sc_bundles>
// kernel: kernel.6.cloned.1.call-start
scs
__scs_entry_jumppad:
0x0: {  	(pc) =	sbr.rel $0x88, $3  }
0x1: {  	(tag) =	ssettag $0x0;
	lr =	simm.s32 $0x1  }
0x2: {  	[smem:$0x3F8C] =	sst lr;
	_ =	strace $0xD0000000  }
0x3: {  	_ = 	snop  }
0x4: {  	_ = 	snop  }
0x5: {  	_ = 	snop  }
0x6: {  	_ = 	snop  }
0x7: {  	_ = 	snop  }
__scs_overlays_trampoline_lowered:
0x8: {  	[smem:$0x3F9B] =	sst s0  }
0x9: {  	[smem:$0x3F9C] =	sst s1  }
0xa: {  	[smem:$0x3F9D] =	sst s2  }
0xb: {  	[smem:$0x3F9E] =	sst s3  }
0xc: {  	[smem:$0x3F9F] =	sst s4  }
0xd: {  	[smem:$0x3FA0] =	sst s5  }
0xe: {  	[smem:$0x3FA1] =	sst s6  }
0xf: {  	[smem:$0x3FA2] =	sst s7  }
0x10: {  	[smem:$0x3FA3] =	sst s8  }
0x11: {  	[smem:$0x3FA4] =	sst s9;
	s0 =	simm.s32 @!p0 $0x0  }
0x12: {  	s1 =	sld [smem:$0x3F8A];
	s0 =	simm.s32 @p0 $0x1  }
0x13: {  	[smem:$0x3FA5] =	sst s0;
	s0 =	simm.s32 @!p1 $0x0  }
0x14: {  	s2 =	sld [smem:$0x3F89];
	s0 =	simm.s32 @p1 $0x1  }
0x15: {  	[smem:$0x3FA6] =	sst s0;
	s0 =	simm.s32 @!p2 $0x0  }
0x16: {  	s3 =	sld [smem:$0x3FDB];
	s0 =	simm.s32 @p2 $0x1  }
0x17: {  	s4 =	simm.s32 $0x1BF5;
	[smem:$0x3FA8] =	sst s0  }
0x18: {  	s0 =	sld [smem:$0x3F8B];
	_ =	swait.ge [sflag:s4], $0x0  }
0x19: {  	s7 =	sld [smem:$0x3F8C]  }
0x1a: {  	s8 =	sadd.s32 $0xFFFFE003, lr  }
0x1b: {  	s9 =	sadd.s32 $0xFFFFFEF7, lr;
	s5 =	simm.s32 $0xFFFFFFFF;
	p2 =	slt.u32 s8, $0xFFFFF086  }
0x1c: {  	p1 =	slt.u32 s9, $0xF7A;
	s5 =	simm.s32 @!p2 $0x0  }
0x1d: {  	s5 =	simm.s32 @p1 $0x1;
	p0 =	seq.s32 s7, s2  }
0x1e: {  	s7 =	smul.u32 @!p0 $0xF7A, s2;
	p2 =	seq.s32 @!p0 s5, $0x0  }
0x1f: {  	s9 =	smul.u32 $0xF7A, s1;
	s8 =	simm.s32 @!p0 $0x1BF5;
	p2 =	por !p2, p0  }
0x20: {  	[sflag:s8] =	ssyncset.s32 @!p0 $0xFFFFF086;
	s6 =	sadd.s32 @!p0 s3, s7;
	s7 =	simm.s32 @!p0 $0x108  }
0x21: {  	s3 =	sadd.s32 s3, s9;
	s6 =	sadd.s32 @!p0 $0x88, s6;
	s7 =	simm.s32 @p2 $0x1082  }
0x22: {  	[simem:s7], [sflag:s8] =	dma.local @!p0 [hbm:s6], $0xF7A  }
0x23: {  	s9 =	sor.u32 $0xD0000000, s2;
	s6 =	simm.s32 $0x108;
	_ =	swait.ge @!p0 [sflag:s8], $0x0  }
0x24: {  	s3 =	sadd.s32 $0x88, s3;
	s6 =	simm.s32 @!p1 $0x1082;
	[sflag:s4] =	ssyncset.s32 $0xFFFFF086  }
0x25: {  	[simem:s6], [sflag:s4] =	dma.local [hbm:s3], $0xF7A  }
0x26: {  	[smem:$0x3F8C] =	sst s1;
	(tag) =	ssettag s2;
	_ =	strace s9  }
0x27: {  	s1 =	sld [smem:$0x3F9C]  }
0x28: {  	s2 =	sld [smem:$0x3F9D]  }
0x29: {  	s4 =	sld [smem:$0x3F9F]  }
0x2a: {  	p0 =	seq.s32 s5, $0x0;
	s5 =	sld [smem:$0x3FA0]  }
0x2b: {  	s6 =	sld [smem:$0x3FA1]  }
0x2c: {  	s7 =	sld [smem:$0x3FA2]  }
0x2d: {  	s3 =	simm.s32 $0x108;
	s8 =	sld [smem:$0x3FA3]  }
0x2e: {  	s3 =	simm.s32 @!p0 $0x1082;
	s9 =	sld [smem:$0x3FA4]  }
0x2f: {  	lr =	sadd.s32 s0, s3;
	s0 =	sld [smem:$0x3F9B]  }
0x30: {  	s3 =	sld [smem:$0x3F9E]  }
0x31: {  	[smem:$0x3FA7] =	sst s10  }
0x32: {  	s10 =	sld [smem:$0x3FA5];
	_ =	sdelay $0x3  }
0x33: {  	p0 =	seq.s32 s10, $0x1;
	s10 =	sld [smem:$0x3FA7];
	_ =	sdelay $0x3  }
0x34: {  	[smem:$0x3FA7] =	sst s10  }
0x35: {  	s10 =	sld [smem:$0x3FA6];
	_ =	sdelay $0x3  }
0x36: {  	p1 =	seq.s32 s10, $0x1;
	s10 =	sld [smem:$0x3FA7];
	_ =	sdelay $0x3  }
0x37: {  	[smem:$0x3FA7] =	sst s10  }
0x38: {  	s10 =	sld [smem:$0x3FA8]  }
0x39: {  	_ = 	snop;
	(pc) =	sbr.ind lr, $3  }
0x3a: {  	_ = 	snop  }
0x3b: {  	_ = 	snop  }
0x3c: {  	p2 =	seq.s32 s10, $0x1;
	s10 =	sld [smem:$0x3FA7]  }
0x3d: {  	_ =	shalt  }
0x3e: {  	_ =	shalt  }
0x3f: {  	_ =	shalt  }
0x40: {  	_ =	shalt  }
0x41: {  	_ =	shalt  }
0x42: {  	_ =	shalt  }
0x43: {  	_ =	shalt  }
0x44: {  	_ =	shalt  }
0x45: {  	_ =	shalt  }
0x46: {  	_ =	shalt  }
0x47: {  	_ =	shalt  }
0x48: {  	_ =	shalt  }
0x49: {  	_ =	shalt  }
0x4a: {  	_ =	shalt  }
0x4b: {  	_ =	shalt  }
0x4c: {  	_ =	shalt  }
0x4d: {  	_ =	shalt  }
0x4e: {  	_ =	shalt  }
0x4f: {  	_ =	shalt  }
0x50: {  	_ =	shalt  }
0x51: {  	_ =	shalt  }
0x52: {  	_ =	shalt  }
0x53: {  	_ =	shalt  }
0x54: {  	_ =	shalt  }
0x55: {  	_ =	shalt  }
0x56: {  	_ =	shalt  }
0x57: {  	_ =	shalt  }
0x58: {  	_ =	shalt  }
0x59: {  	_ =	shalt  }
0x5a: {  	_ =	shalt  }
0x5b: {  	_ =	shalt  }
0x5c: {  	_ =	shalt  }
0x5d: {  	_ =	shalt  }
0x5e: {  	_ =	shalt  }
0x5f: {  	_ =	shalt  }
0x60: {  	_ =	shalt  }
0x61: {  	_ =	shalt  }
0x62: {  	_ =	shalt  }
0x63: {  	_ =	shalt  }
0x64: {  	_ =	shalt  }
0x65: {  	_ =	shalt  }
0x66: {  	_ =	shalt  }
0x67: {  	_ =	shalt  }
0x68: {  	_ =	shalt  }
0x69: {  	_ =	shalt  }
0x6a: {  	_ =	shalt  }
0x6b: {  	_ =	shalt  }
0x6c: {  	_ =	shalt  }
0x6d: {  	_ =	shalt  }
0x6e: {  	_ =	shalt  }
0x6f: {  	_ =	shalt  }
0x70: {  	_ =	shalt  }
0x71: {  	_ =	shalt  }
0x72: {  	_ =	shalt  }
0x73: {  	_ =	shalt  }
0x74: {  	_ =	shalt  }
0x75: {  	_ =	shalt  }
0x76: {  	_ =	shalt  }
0x77: {  	_ =	shalt  }
0x78: {  	_ =	shalt  }
0x79: {  	_ =	shalt  }
0x7a: {  	_ =	shalt  }
0x7b: {  	_ =	shalt  }
0x7c: {  	_ =	shalt  }
0x7d: {  	_ =	shalt  }
0x7e: {  	_ =	shalt  }
0x7f: {  	_ =	shalt  }
0x80: {  	_ =	shalt  }
0x81: {  	_ =	shalt  }
0x82: {  	_ =	shalt  }
0x83: {  	_ =	shalt  }
0x84: {  	_ =	shalt  }
0x85: {  	_ =	shalt  }
0x86: {  	_ =	shalt  }
0x87: {  	_ =	shalt  }
.Lfunc_end0:
.L_simem_size_0:
called_computation_lowered:
.L_overlay_start_0:
0x88: {  	s2 =	sld [smem:$0x3FD9]  }
0x89: {  	s3 =	sld [smem:$0x3FFE];
	_ =	sdelay $0x1  }
0x8a: {  	s1 =	srdreg.scid  }
0x8b: {  	s0 =	sand.u32 $0x1, s1  }
0x8c: {  	s17 =	sshll.u32 s0, $0xA;
	s2 =	sadd.s32 s3, s2  }
0x8d: {  	s2 =	sadd.s32 s2, s17  }
0x8e: {  	[smem:$0x3FB3] =	sst s2  }
0x8f: {  	_ = 	snop  }
0x90: {  	s2 =	sld [smem:$0x3FC9];
	(tm) =	ssettm $0x1  }
0x91: {  	s18 =	sld [smem:$0x3FFB];
	_ =	sdelay $0x3  }
0x92: {  	_ =	strace s18  }
0x93: {  	s3 =	sld [smem:$0x3FFC];
	_ =	sdelay $0x3  }
0x94: {  	_ =	strace s3  }
0x95: {  	s3 =	sld [smem:$0x3FFD];
	_ =	sdelay $0x3  }
0x96: {  	_ =	strace s3  }
0x97: {  	_ =	strace $0x8FFFFFFF  }
0x98: {  	s19 =	sld [smem:$0x3FDB];
	_ =	sdelay $0x1  }
0x99: {  	s4 =	simm.s32 $_scs_section_size  }
0x9a: {  	s5 =	simm.s32 $_size__tile_overlayer_lowered;
	s6 =	simm.s32 $_tile_overlayer_lowered  }
0x9b: {  	s22 =	simm.s32 $0x1BFF;
	s21 =	sshll.u32 s6, $0x1;
	s3 =	sadd.s32 s4, s19  }
0x9c: {  	s7 =	simm.s32 $0x0;
	s20 =	sshll.u32 s5, $0x1;
	s5 =	sadd.s32 s21, s3  }
0x9d: {  	[timem:s7], [sflag:s22] =	dma.local [hbm:s5], s20  }
0x9e: {  	_ =	swait.ge [sflag:s22], s20  }
0x9f: {  	s4 =	ssub.s32 $0x0, s20;
	[sflag:s22] =	ssyncset.done $0x0  }
0xa0: {  	[sflag:s22] =	ssyncadd.s32 s4;
	_ =	sdelay $0x1  }
0xa1: {  	s23 =	simm.s32 $0x1B8B  }
0xa2: {  	_ =	swait.ge [sflag:s23], $0x1  }
0xa3: {  	[sflag:s23] =	ssyncset.done $0x0  }
0xa4: {  	s25 =	simm.s32 $0x1B8E;
	s24 =	sld [smem:$0x3FFE];
	[sflag:s23] =	ssyncadd.s32 $0xFFFFFFFF  }
0xa5: {  	s26 =	simm.s32 $execute0_lowered;
	[smem:$0x3FD2] =	sst s25  }
0xa6: {  	s5 =	sshll.u32 s26, $0x1;
	_ =	strace $0x80000046;
	[dreg:$0x1] =	wrdreg $0xFFFFFFFF  }
0xa7: {  	s28 =	simm.s32 $_size_execute0_lowered;
	s3 =	sadd.s32 s3, s5;
	[dreg:$0x0] =	wrdreg $0x0  }
0xa8: {  	s5 =	sshll.u32 s28, $0x1;
	[dreg:$0x2] =	wrdreg s3  }
0xa9: {  	[dreg:$0x3] =	wrdreg s5  }
0xaa: {  	[dreg:$0x4] =	wrdreg $0xC0  }
0xab: {  	_ =	task [dreg:s7], $0x5FFFF  }
0xac: {  	[dreg:$0x1] =	wrdreg $0xFFFFFFFF  }
0xad: {  	[dreg:$0x0] =	wrdreg $0x60  }
0xae: {  	[dreg:$0x2] =	wrdreg s2  }
0xaf: {  	[dreg:$0x3] =	wrdreg s24  }
0xb0: {  	[dreg:$0x4] =	wrdreg $0x9B400  }
0xb1: {  	[dreg:$0x5] =	wrdreg $0x1DBA00  }
0xb2: {  	[dreg:$0x6] =	wrdreg $0x9  }
0xb3: {  	_ =	task.clear_ibuf [dreg:s7], $0x7FFFF;
	_ =	strace $0x90000046  }
0xb4: {  	s29 =	simm.s32 $0x9;
	_ =	strace $0x80000048  }
0xb5: {  	_ =	swait.ge [sflag:s29], $0x1  }
0xb6: {  	[sflag:s29] =	ssyncadd.s32 $0xFFFFFFFF  }
0xb7: {  	_ =	strace $0x90000048  }
0xb8: {  	_ =	sfence  }
0xb9: {  	s30 =	sld [smem:$0x0];
	_ =	sdelay $0x2  }
0xba: {  	s31 =	sshll.u32 s1, $0xD;
	s1 =	sshrl.u32 s1, $0x2  }
0xbb: {  	s3 =	sand.u32 $0x4000, s31;
	s1 =	sadd.s32 s1, s30  }
0xbc: {  	s0 =	sor.u32 s3, s0;
	s1 =	sshll.u32 s1, $0x11  }
0xbd: {  	s0 =	sor.u32 s1, s0  }
0xbe: {  	s0 =	sadd.s32 $0x8F2B, s0  }
0xbf: {  	[sflag:s0] =	ssyncadd.remote.s32 $0x1  }
0xc0: {  	_ =	sfence.sel $0xFFFF  }
0xc1: {  	[dreg:$0x0] =	wrdreg $0xFFFFFFFF;
	(pc) =	sbr.abs _section_cstart, $3  }
0xc2: {  	[dreg:$0x1] =	wrdreg $0xFFFFFFFF  }
0xc3: {  	_ =	task.clear_ibuf [dreg:s7], $0x2FFFF;
	_ =	strace $0x9FFFFFFF  }
0xc4: {  	(tm) =	ssettm $0x7FFFFFFF  }
0xc5: {  	_ =	shalt  }
tec
execute0_lowered:
.L_overlay_start_1:
0x0: {  	(tag) =	ssettag $0x1  }
0x1: {  	s1 =	rddreg [dreg:$0x0]  }
0x2: {  	s0 =	rddreg [dreg:$0x1];
	s2 =	srdreg.scid  }
0x3: {  	s14 =	stileid.u32;
	s3 =	rddreg [dreg:$0x2]  }
0x4: {  	s4 =	rddreg [dreg:$0x3];
	s5 =	simm.s32 $0x0;
	s15 =	simm.s32 $0x120  }
0x5: {  	s16 =	simm.s32 $0x180;
	s17 =	simm.s32 $0x1E0;
	s6 =	smul.u32 $0x4EC0, s14  }
0x6: {  	s18 =	simm.s32 $0x240;
	s25 =	smul.u32 $0x14000, s14;
	[smem:$0x7FF] =	sst s5  }
0x7: {  	s8 =	smul.u32 $0x280, s14;
	s26 =	sshll.u32 s14, $0x6;
	s14 =	simm.s32 $0xC0  }
0x8: {  	s19 =	simm.s32 $0x2A0;
	_ =	strace $0x80000047;
	[dreg:$0x7] =	wrdreg s14  }
0x9: {  	s20 =	simm.s32 $0x300;
	s21 =	simm.s32 $0x360;
	[dreg:$0x8] =	wrdreg s15  }
0xa: {  	s22 =	simm.s32 $0x3C0;
	s23 =	simm.s32 $0x420;
	[dreg:$0x9] =	wrdreg s16  }
0xb: {  	s24 =	simm.s32 $0x480;
	s2 =	sand.u32 $0x1, s2;
	[dreg:$0xa] =	wrdreg s17  }
0xc: {  	s29 =	simm.s32 $0x5;
	s7 =	smul.u32 $0x2760, s2;
	[dreg:$0xb] =	wrdreg s18  }
0xd: {  	s31 =	simm.s32 $0x6;
	s9 =	smul.u32 $0x140000, s2;
	[dreg:$0xc] =	wrdreg s19  }
0xe: {  	s12 =	smul.u32 $0x2800, s2;
	s2 =	ssub.s32 $0x2, s2;
	[dreg:$0xd] =	wrdreg s20  }
0xf: {  	s28 =	sor.u32 $0x1C08, s26;
	s15 =	simm.s32 $0x5A0;
	[dreg:$0xe] =	wrdreg s21  }
0x10: {  	s16 =	simm.s32 $0x60;
	s17 =	simm.s32 $0xB40;
	[dreg:$0xf] =	wrdreg s22  }
0x11: {  	s18 =	simm.s32 $0x3B40;
	s19 =	simm.s32 $0x1;
	[dreg:$0x10] =	wrdreg s23  }
0x12: {  	s20 =	simm.s32 $0x1DB40;
	s21 =	simm.s32 $0x6B40;
	[dreg:$0x11] =	wrdreg s24  }
0x13: {  	s22 =	simm.s32 $0x2;
	s26 =	simm.s32 $0x540;
	s24 =	simm.s32 $0x7  }
0x14: {  	s14 =	simm.s32 $0x8A0;
	s23 =	simm.s32 $0x960;
	s10 =	sshrl.u32 s25, $0x3  }
0x15: {  	s11 =	sshrl.u32 s8, $0x3;
	s13 =	sshrl.u32 s2, $0x1;
	[dreg:$0x13] =	wrdreg s26  }
0x16: {  	[dreg:$0x15] =	wrdreg s28;
	s6 =	sadd.s32 s7, s6;
	s10 =	sadd.s32 s10, s0  }
0x17: {  	s11 =	sadd.s32 s11, s0;
	s9 =	sadd.s32 s25, s9;
	s12 =	sadd.s32 s8, s12  }
0x18: {  	s2 =	ssub.s32 s2, s13;
	s7 =	sadd.s32 s25, s3;
	s8 =	sadd.s32 s8, s4  }
0x19: {  	s25 =	simm.s32 $0x4E0;
	s6 =	sshrl.u32 s6, $0x3;
	s9 =	sshrl.u32 s9, $0x3  }
0x1a: {  	s12 =	sshrl.u32 s12, $0x3;
	s10 =	sadd.s32 $0x16C00, s10;
	[dreg:$0x12] =	wrdreg s25  }
0x1b: {  	s2 =	smax.u32 s2, $0x1;
	s30 =	sshrl.u32 s8, $0x3;
	[dreg:$0x14] =	wrdreg s10  }
0x1c: {  	s6 =	sadd.s32 s6, s0;
	s9 =	sadd.s32 s9, s0;
	[dreg:$0x19] =	wrdreg s2  }
0x1d: {  	s0 =	sadd.s32 s12, s0;
	s12 =	sadd.s32 $0x16600, s11;
	[dreg:$0x1b] =	wrdreg s30  }
0x1e: {  	s26 =	simm.s32 $0x3;
	[dreg:$0x16] =	wrdreg s12;
	s9 =	sadd.s32 $0x3F600, s9  }
0x1f: {  	s25 =	simm.s32 $0x4;
	s13 =	sadd.s32 $0x2A00, s6;
	[dreg:$0x17] =	wrdreg s9  }
0x20: {  	s8 =	simm.s32 $0xA80;
	s0 =	sadd.s32 $0x3EC00, s0;
	[dreg:$0x5] =	wrdreg s13  }
0x21: {  	s10 =	simm.s32 $0x780;
	s6 =	sadd.s32 $0xC800, s6;
	[dreg:$0x18] =	wrdreg s0  }
0x22: {  	s11 =	simm.s32 $0x7E0;
	s12 =	simm.s32 $0x840;
	[dreg:$0x6] =	wrdreg s6  }
0x23: {  	s6 =	sshrl.u32 s7, $0x3;
	s13 =	simm.s32 $0x8;
	s0 =	simm.s32 $0x0  }
0x24: {  	v0 =	vimm.f32 $1.000000000e+00;
	s7 =	simm.s32 $0x900;
	s9 =	simm.s32 $0xAE0;
	[dreg:$0x1a] =	wrdreg s6  }
.LBB2_1:
0x25: {  	[dreg:$0x1c] =	wrdreg s0  }
0x26: {  	s2 =	rddreg [dreg:$0x14]  }
0x27: {  	[spmem:s6], [sflag:s28] =	dma.local [hbm:s2], $0x2800  }
0x28: {  	_ =	swait.ge [sflag:s13], $0x2800  }
0x29: {  	[sflag:s13] =	ssyncset.done $0x0  }
0x2a: {  	s6 =	rddreg [dreg:$0x16];
	[sflag:s13] =	ssyncadd.s32 $0xFFFFD800  }
0x2b: {  	[spmem:s30], [sflag:s28] =	dma.local [hbm:s6], $0x50  }
0x2c: {  	_ =	swait.ge [sflag:s13], $0x50  }
0x2d: {  	[sflag:s13] =	ssyncset.done $0x0  }
0x2e: {  	[sflag:s13] =	ssyncadd.s32 $0xFFFFFFB0  }
0x2f: {  	[tilespmem:$0x1DB40] =	vst v0  }
0x30: {  	[tilespmem:$0x1DB50] =	vst v0  }
0x31: {  	[tilespmem:$0x1DB60] =	vst v0  }
0x32: {  	[tilespmem:$0x1DB70] =	vst v0  }
0x33: {  	[tilespmem:$0x1DB80] =	vst v0  }
0x34: {  	[tilespmem:$0x1DB90] =	vst v0  }
0x35: {  	[bflag:$0x0] =	sbarrier.arrive $0xFFFF  }
0x36: {  	s28 =	rddreg [dreg:$0x6]  }
0x37: {  	s28 =	sadd.s32 $0x0, s28  }
0x38: {  	[tilespmem:s5], [sflag:$0x8] =	stream.linear.gather [hbm4b:s28+s5], $0x5A0, $0x38;
	[tilespmem:$0x1DE20] =	vst v63  }
0x39: {  	_ =	swait.ge [sflag:s13], $0x5A0  }
0x3a: {  	s28 =	rddreg [dreg:$0x5];
	[sflag:s13] =	ssyncset.done $0x0  }
0x3b: {  	[sflag:s13] =	ssyncadd.s32 $0xFFFFFA60;
	s28 =	sadd.s32 $0x0, s28  }
0x3c: {  	[tilespmem:s15], [sflag:$0x8] =	stream.linear.gather [hbm4b:s28+s5], $0x5A0, $0x38;
	[tilespmem:$0x1DE20] =	vst v63  }
0x3d: {  	_ =	swait.ge [sflag:s13], $0x5A0  }
0x3e: {  	[sflag:s13] =	ssyncset.done $0x0  }
0x3f: {  	[sflag:s13] =	ssyncadd.s32 $0xFFFFFA60  }
0x40: {  	[tilespmem:s17], [sflag:$0x1] =	stream.indirect.gather [hbm4b:s1+s16], $0x80, s5, s16, $0xb8;
	[tilespmem:$0x1DE20] =	vst v63  }
0x41: {  	_ = 	snop  }
0x42: {  	[tilespmem:s18], [sflag:$0x2] =	stream.indirect.gather [hbm4b:s1+s16], $0x80, s16, s16, $0xb8;
	[tilespmem:$0x1DE20] =	vst v63  }
0x43: {  	_ =	swait.ge [sflag:s19], $0x3000  }
0x44: {  	[sflag:s19] =	ssyncset.done $0x0  }
0x45: {  	[sflag:s19] =	ssyncadd.s32 $0xFFFFD000  }
0x46: {  	[spmem:s3] =	stream.indirect.scatter.add.f32 [tilespmem:s17], [sflag:$0x4], $0x80, s15, s16, $0xb8;
	[tilespmem:$0x1DE20] =	vst v63  }
0x47: {  	_ = 	snop  }
0x48: {  	[spmem:s4] =	stream.indirect.scatter.add.f32 [tilespmem:s20], [sflag:$0x7], $0x1, s15, s16, $0xb8;
	[tilespmem:$0x1DE20] =	vst v63  }
0x49: {  	s28 =	rddreg [dreg:$0x7]  }
0x4a: {  	[tilespmem:s21], [sflag:$0x3] =	stream.indirect.gather [hbm4b:s1+s16], $0x80, s28, s16, $0xb8;
	[tilespmem:$0x1DE20] =	vst v63  }
0x4b: {  	_ =	swait.ge [sflag:s22], $0x3000  }
0x4c: {  	[sflag:s22] =	ssyncset.done $0x0  }
0x4d: {  	s30 =	simm.s32 $0x600;
	[sflag:s22] =	ssyncadd.s32 $0xFFFFD000  }
0x4e: {  	[spmem:s3] =	stream.indirect.scatter.add.f32 [tilespmem:s18], [sflag:$0x5], $0x80, s30, s16, $0xb8;
	[tilespmem:$0x1DE20] =	vst v63  }
0x4f: {  	_ =	swait.ge [sflag:s24], $0x60  }
0x50: {  	[sflag:s24] =	ssyncset.done $0x0  }
0x51: {  	[sflag:s24] =	ssyncadd.s32 $0xFFFFFFA0  }
0x52: {  	[spmem:s4] =	stream.indirect.scatter.add.f32 [tilespmem:s20], [sflag:$0x7], $0x1, s30, s16, $0xb8;
	[tilespmem:$0x1DE20] =	vst v63  }
0x53: {  	_ =	swait.ge [sflag:s25], $0x3000  }
0x54: {  	[sflag:s25] =	ssyncset.done $0x0  }
0x55: {  	s28 =	rddreg [dreg:$0x8];
	[sflag:s25] =	ssyncadd.s32 $0xFFFFD000  }
0x56: {  	[tilespmem:s17], [sflag:$0x1] =	stream.indirect.gather [hbm4b:s1+s16], $0x80, s28, s16, $0xb8;
	[tilespmem:$0x1DE20] =	vst v63  }
0x57: {  	_ =	swait.ge [sflag:s26], $0x3000  }
0x58: {  	[sflag:s26] =	ssyncset.done $0x0  }
0x59: {  	s2 =	simm.s32 $0x660;
	[sflag:s26] =	ssyncadd.s32 $0xFFFFD000  }
0x5a: {  	[spmem:s3] =	stream.indirect.scatter.add.f32 [tilespmem:s21], [sflag:$0x6], $0x80, s2, s16, $0xb8;
	[tilespmem:$0x1DE20] =	vst v63  }
0x5b: {  	_ =	swait.ge [sflag:s24], $0x60  }
0x5c: {  	[sflag:s24] =	ssyncset.done $0x0  }
0x5d: {  	[sflag:s24] =	ssyncadd.s32 $0xFFFFFFA0  }
0x5e: {  	[spmem:s4] =	stream.indirect.scatter.add.f32 [tilespmem:s20], [sflag:$0x7], $0x1, s2, s16, $0xb8;
	[tilespmem:$0x1DE20] =	vst v63  }
0x5f: {  	_ =	swait.ge [sflag:s29], $0x3000  }
0x60: {  	[sflag:s29] =	ssyncset.done $0x0  }
0x61: {  	s28 =	rddreg [dreg:$0x9];
	[sflag:s29] =	ssyncadd.s32 $0xFFFFD000  }
0x62: {  	[tilespmem:s18], [sflag:$0x2] =	stream.indirect.gather [hbm4b:s1+s16], $0x80, s28, s16, $0xb8;
	[tilespmem:$0x1DE20] =	vst v63  }
0x63: {  	_ =	swait.ge [sflag:s19], $0x3000  }
0x64: {  	[sflag:s19] =	ssyncset.done $0x0  }
0x65: {  	s6 =	simm.s32 $0x6C0;
	[sflag:s19] =	ssyncadd.s32 $0xFFFFD000  }
0x66: {  	[spmem:s3] =	stream.indirect.scatter.add.f32 [tilespmem:s17], [sflag:$0x4], $0x80, s6, s16, $0xb8;
	[tilespmem:$0x1DE20] =	vst v63  }
0x67: {  	_ =	swait.ge [sflag:s24], $0x60  }
0x68: {  	[sflag:s24] =	ssyncset.done $0x0  }
0x69: {  	[sflag:s24] =	ssyncadd.s32 $0xFFFFFFA0  }
0x6a: {  	[spmem:s4] =	stream.indirect.scatter.add.f32 [tilespmem:s20], [sflag:$0x7], $0x1, s6, s16, $0xb8;
	[tilespmem:$0x1DE20] =	vst v63  }
0x6b: {  	_ =	swait.ge [sflag:s31], $0x3000  }
0x6c: {  	[sflag:s31] =	ssyncset.done $0x0  }
0x6d: {  	s28 =	rddreg [dreg:$0xa];
	[sflag:s31] =	ssyncadd.s32 $0xFFFFD000  }
0x6e: {  	[tilespmem:s21], [sflag:$0x3] =	stream.indirect.gather [hbm4b:s1+s16], $0x80, s28, s16, $0xb8;
	[tilespmem:$0x1DE20] =	vst v63  }
0x6f: {  	_ =	swait.ge [sflag:s22], $0x3000  }
0x70: {  	[sflag:s22] =	ssyncset.done $0x0  }
0x71: {  	s30 =	simm.s32 $0x720;
	[sflag:s22] =	ssyncadd.s32 $0xFFFFD000  }
0x72: {  	[spmem:s3] =	stream.indirect.scatter.add.f32 [tilespmem:s18], [sflag:$0x5], $0x80, s30, s16, $0xb8;
	[tilespmem:$0x1DE20] =	vst v63  }
0x73: {  	_ =	swait.ge [sflag:s24], $0x60  }
0x74: {  	[sflag:s24] =	ssyncset.done $0x0  }
0x75: {  	[sflag:s24] =	ssyncadd.s32 $0xFFFFFFA0  }
0x76: {  	[spmem:s4] =	stream.indirect.scatter.add.f32 [tilespmem:s20], [sflag:$0x7], $0x1, s30, s16, $0xb8;
	[tilespmem:$0x1DE20] =	vst v63  }
0x77: {  	_ =	swait.ge [sflag:s25], $0x3000  }
0x78: {  	[sflag:s25] =	ssyncset.done $0x0  }
0x79: {  	s28 =	rddreg [dreg:$0xb];
	[sflag:s25] =	ssyncadd.s32 $0xFFFFD000  }
0x7a: {  	[tilespmem:s17], [sflag:$0x1] =	stream.indirect.gather [hbm4b:s1+s16], $0x80, s28, s16, $0xb8;
	[tilespmem:$0x1DE20] =	vst v63  }
0x7b: {  	_ =	swait.ge [sflag:s26], $0x3000  }
0x7c: {  	[sflag:s26] =	ssyncset.done $0x0  }
0x7d: {  	[sflag:s26] =	ssyncadd.s32 $0xFFFFD000  }
0x7e: {  	[spmem:s3] =	stream.indirect.scatter.add.f32 [tilespmem:s21], [sflag:$0x6], $0x80, s10, s16, $0xb8;
	[tilespmem:$0x1DE20] =	vst v63  }
0x7f: {  	_ =	swait.ge [sflag:s24], $0x60  }
0x80: {  	[sflag:s24] =	ssyncset.done $0x0  }
0x81: {  	[sflag:s24] =	ssyncadd.s32 $0xFFFFFFA0  }
0x82: {  	[spmem:s4] =	stream.indirect.scatter.add.f32 [tilespmem:s20], [sflag:$0x7], $0x1, s10, s16, $0xb8;
	[tilespmem:$0x1DE20] =	vst v63  }
0x83: {  	_ =	swait.ge [sflag:s29], $0x3000  }
0x84: {  	[sflag:s29] =	ssyncset.done $0x0  }
0x85: {  	s28 =	rddreg [dreg:$0xc];
	[sflag:s29] =	ssyncadd.s32 $0xFFFFD000  }
0x86: {  	[tilespmem:s18], [sflag:$0x2] =	stream.indirect.gather [hbm4b:s1+s16], $0x80, s28, s16, $0xb8;
	[tilespmem:$0x1DE20] =	vst v63  }
0x87: {  	_ =	swait.ge [sflag:s19], $0x3000  }
0x88: {  	[sflag:s19] =	ssyncset.done $0x0  }
0x89: {  	[sflag:s19] =	ssyncadd.s32 $0xFFFFD000  }
0x8a: {  	[spmem:s3] =	stream.indirect.scatter.add.f32 [tilespmem:s17], [sflag:$0x4], $0x80, s11, s16, $0xb8;
	[tilespmem:$0x1DE20] =	vst v63  }
0x8b: {  	_ =	swait.ge [sflag:s24], $0x60  }
0x8c: {  	[sflag:s24] =	ssyncset.done $0x0  }
0x8d: {  	[sflag:s24] =	ssyncadd.s32 $0xFFFFFFA0  }
0x8e: {  	[spmem:s4] =	stream.indirect.scatter.add.f32 [tilespmem:s20], [sflag:$0x7], $0x1, s11, s16, $0xb8;
	[tilespmem:$0x1DE20] =	vst v63  }
0x8f: {  	_ =	swait.ge [sflag:s31], $0x3000  }
0x90: {  	[sflag:s31] =	ssyncset.done $0x0  }
0x91: {  	s28 =	rddreg [dreg:$0xd];
	[sflag:s31] =	ssyncadd.s32 $0xFFFFD000  }
0x92: {  	[tilespmem:s21], [sflag:$0x3] =	stream.indirect.gather [hbm4b:s1+s16], $0x80, s28, s16, $0xb8;
	[tilespmem:$0x1DE20] =	vst v63  }
0x93: {  	_ =	swait.ge [sflag:s22], $0x3000  }
0x94: {  	[sflag:s22] =	ssyncset.done $0x0  }
0x95: {  	[sflag:s22] =	ssyncadd.s32 $0xFFFFD000  }
0x96: {  	[spmem:s3] =	stream.indirect.scatter.add.f32 [tilespmem:s18], [sflag:$0x5], $0x80, s12, s16, $0xb8;
	[tilespmem:$0x1DE20] =	vst v63  }
0x97: {  	_ =	swait.ge [sflag:s24], $0x60  }
0x98: {  	[sflag:s24] =	ssyncset.done $0x0  }
0x99: {  	[sflag:s24] =	ssyncadd.s32 $0xFFFFFFA0  }
0x9a: {  	[spmem:s4] =	stream.indirect.scatter.add.f32 [tilespmem:s20], [sflag:$0x7], $0x1, s12, s16, $0xb8;
	[tilespmem:$0x1DE20] =	vst v63  }
0x9b: {  	_ =	swait.ge [sflag:s25], $0x3000  }
0x9c: {  	[sflag:s25] =	ssyncset.done $0x0  }
0x9d: {  	s28 =	rddreg [dreg:$0xe];
	[sflag:s25] =	ssyncadd.s32 $0xFFFFD000  }
0x9e: {  	[tilespmem:s17], [sflag:$0x1] =	stream.indirect.gather [hbm4b:s1+s16], $0x80, s28, s16, $0xb8;
	[tilespmem:$0x1DE20] =	vst v63  }
0x9f: {  	_ =	swait.ge [sflag:s26], $0x3000  }
0xa0: {  	[sflag:s26] =	ssyncset.done $0x0  }
0xa1: {  	[sflag:s26] =	ssyncadd.s32 $0xFFFFD000  }
0xa2: {  	[spmem:s3] =	stream.indirect.scatter.add.f32 [tilespmem:s21], [sflag:$0x6], $0x80, s14, s16, $0xb8;
	[tilespmem:$0x1DE20] =	vst v63  }
0xa3: {  	_ =	swait.ge [sflag:s24], $0x60  }
0xa4: {  	[sflag:s24] =	ssyncset.done $0x0  }
0xa5: {  	[sflag:s24] =	ssyncadd.s32 $0xFFFFFFA0  }
0xa6: {  	[spmem:s4] =	stream.indirect.scatter.add.f32 [tilespmem:s20], [sflag:$0x7], $0x1, s14, s16, $0xb8;
	[tilespmem:$0x1DE20] =	vst v63  }
0xa7: {  	_ =	swait.ge [sflag:s29], $0x3000  }
0xa8: {  	[sflag:s29] =	ssyncset.done $0x0  }
0xa9: {  	s28 =	rddreg [dreg:$0xf];
	[sflag:s29] =	ssyncadd.s32 $0xFFFFD000  }
0xaa: {  	[tilespmem:s18], [sflag:$0x2] =	stream.indirect.gather [hbm4b:s1+s16], $0x80, s28, s16, $0xb8;
	[tilespmem:$0x1DE20] =	vst v63  }
0xab: {  	_ =	swait.ge [sflag:s19], $0x3000  }
0xac: {  	[sflag:s19] =	ssyncset.done $0x0  }
0xad: {  	[sflag:s19] =	ssyncadd.s32 $0xFFFFD000  }
0xae: {  	[spmem:s3] =	stream.indirect.scatter.add.f32 [tilespmem:s17], [sflag:$0x4], $0x80, s7, s16, $0xb8;
	[tilespmem:$0x1DE20] =	vst v63  }
0xaf: {  	_ =	swait.ge [sflag:s24], $0x60  }
0xb0: {  	[sflag:s24] =	ssyncset.done $0x0  }
0xb1: {  	[sflag:s24] =	ssyncadd.s32 $0xFFFFFFA0  }
0xb2: {  	[spmem:s4] =	stream.indirect.scatter.add.f32 [tilespmem:s20], [sflag:$0x7], $0x1, s7, s16, $0xb8;
	[tilespmem:$0x1DE20] =	vst v63  }
0xb3: {  	_ =	swait.ge [sflag:s31], $0x3000  }
0xb4: {  	[sflag:s31] =	ssyncset.done $0x0  }
0xb5: {  	s28 =	rddreg [dreg:$0x10];
	[sflag:s31] =	ssyncadd.s32 $0xFFFFD000  }
0xb6: {  	[tilespmem:s21], [sflag:$0x3] =	stream.indirect.gather [hbm4b:s1+s16], $0x80, s28, s16, $0xb8;
	[tilespmem:$0x1DE20] =	vst v63  }
0xb7: {  	_ =	swait.ge [sflag:s22], $0x3000  }
0xb8: {  	[sflag:s22] =	ssyncset.done $0x0  }
0xb9: {  	[sflag:s22] =	ssyncadd.s32 $0xFFFFD000  }
0xba: {  	[spmem:s3] =	stream.indirect.scatter.add.f32 [tilespmem:s18], [sflag:$0x5], $0x80, s23, s16, $0xb8;
	[tilespmem:$0x1DE20] =	vst v63  }
0xbb: {  	_ =	swait.ge [sflag:s24], $0x60  }
0xbc: {  	[sflag:s24] =	ssyncset.done $0x0  }
0xbd: {  	[sflag:s24] =	ssyncadd.s32 $0xFFFFFFA0  }
0xbe: {  	[spmem:s4] =	stream.indirect.scatter.add.f32 [tilespmem:s20], [sflag:$0x7], $0x1, s23, s16, $0xb8;
	[tilespmem:$0x1DE20] =	vst v63  }
0xbf: {  	_ =	swait.ge [sflag:s25], $0x3000  }
0xc0: {  	[sflag:s25] =	ssyncset.done $0x0  }
0xc1: {  	s28 =	rddreg [dreg:$0x11];
	[sflag:s25] =	ssyncadd.s32 $0xFFFFD000  }
0xc2: {  	[tilespmem:s17], [sflag:$0x1] =	stream.indirect.gather [hbm4b:s1+s16], $0x80, s28, s16, $0xb8;
	[tilespmem:$0x1DE20] =	vst v63  }
0xc3: {  	_ =	swait.ge [sflag:s26], $0x3000  }
0xc4: {  	[sflag:s26] =	ssyncset.done $0x0  }
0xc5: {  	s0 =	simm.s32 $0x9C0;
	[sflag:s26] =	ssyncadd.s32 $0xFFFFD000  }
0xc6: {  	[spmem:s3] =	stream.indirect.scatter.add.f32 [tilespmem:s21], [sflag:$0x6], $0x80, s0, s16, $0xb8;
	[tilespmem:$0x1DE20] =	vst v63  }
0xc7: {  	_ =	swait.ge [sflag:s24], $0x60  }
0xc8: {  	[sflag:s24] =	ssyncset.done $0x0  }
0xc9: {  	[sflag:s24] =	ssyncadd.s32 $0xFFFFFFA0  }
0xca: {  	[spmem:s4] =	stream.indirect.scatter.add.f32 [tilespmem:s20], [sflag:$0x7], $0x1, s0, s16, $0xb8;
	[tilespmem:$0x1DE20] =	vst v63  }
0xcb: {  	_ =	swait.ge [sflag:s29], $0x3000  }
0xcc: {  	[sflag:s29] =	ssyncset.done $0x0  }
0xcd: {  	s28 =	rddreg [dreg:$0x12];
	[sflag:s29] =	ssyncadd.s32 $0xFFFFD000  }
0xce: {  	[tilespmem:s18], [sflag:$0x2] =	stream.indirect.gather [hbm4b:s1+s16], $0x80, s28, s16, $0xb8;
	[tilespmem:$0x1DE20] =	vst v63  }
0xcf: {  	_ =	swait.ge [sflag:s19], $0x3000  }
0xd0: {  	[sflag:s19] =	ssyncset.done $0x0  }
0xd1: {  	s6 =	simm.s32 $0xA20;
	[sflag:s19] =	ssyncadd.s32 $0xFFFFD000  }
0xd2: {  	[spmem:s3] =	stream.indirect.scatter.add.f32 [tilespmem:s17], [sflag:$0x4], $0x80, s6, s16, $0xb8;
	[tilespmem:$0x1DE20] =	vst v63  }
0xd3: {  	_ =	swait.ge [sflag:s24], $0x60  }
0xd4: {  	[sflag:s24] =	ssyncset.done $0x0  }
0xd5: {  	[sflag:s24] =	ssyncadd.s32 $0xFFFFFFA0  }
0xd6: {  	[spmem:s4] =	stream.indirect.scatter.add.f32 [tilespmem:s20], [sflag:$0x7], $0x1, s6, s16, $0xb8;
	[tilespmem:$0x1DE20] =	vst v63  }
0xd7: {  	_ =	swait.ge [sflag:s31], $0x3000  }
0xd8: {  	[sflag:s31] =	ssyncset.done $0x0  }
0xd9: {  	s28 =	rddreg [dreg:$0x13];
	[sflag:s31] =	ssyncadd.s32 $0xFFFFD000  }
0xda: {  	[tilespmem:s21], [sflag:$0x3] =	stream.indirect.gather [hbm4b:s1+s16], $0x80, s28, s16, $0xb8;
	[tilespmem:$0x1DE20] =	vst v63  }
0xdb: {  	_ =	swait.ge [sflag:s22], $0x3000  }
0xdc: {  	[sflag:s22] =	ssyncset.done $0x0  }
0xdd: {  	[sflag:s22] =	ssyncadd.s32 $0xFFFFD000  }
0xde: {  	[spmem:s3] =	stream.indirect.scatter.add.f32 [tilespmem:s18], [sflag:$0x5], $0x80, s8, s16, $0xb8;
	[tilespmem:$0x1DE20] =	vst v63  }
0xdf: {  	_ =	swait.ge [sflag:s24], $0x60  }
0xe0: {  	[sflag:s24] =	ssyncset.done $0x0  }
0xe1: {  	[sflag:s24] =	ssyncadd.s32 $0xFFFFFFA0  }
0xe2: {  	[spmem:s4] =	stream.indirect.scatter.add.f32 [tilespmem:s20], [sflag:$0x7], $0x1, s8, s16, $0xb8;
	[tilespmem:$0x1DE20] =	vst v63  }
0xe3: {  	_ =	swait.ge [sflag:s26], $0x3000  }
0xe4: {  	[sflag:s26] =	ssyncset.done $0x0  }
0xe5: {  	[sflag:s26] =	ssyncadd.s32 $0xFFFFD000  }
0xe6: {  	[spmem:s3] =	stream.indirect.scatter.add.f32 [tilespmem:s21], [sflag:$0x6], $0x80, s9, s16, $0xb8;
	[tilespmem:$0x1DE20] =	vst v63  }
0xe7: {  	_ =	swait.ge [sflag:s24], $0x60  }
0xe8: {  	[sflag:s24] =	ssyncset.done $0x0  }
0xe9: {  	[sflag:s24] =	ssyncadd.s32 $0xFFFFFFA0  }
0xea: {  	[spmem:s4] =	stream.indirect.scatter.add.f32 [tilespmem:s20], [sflag:$0x7], $0x1, s9, s16, $0xb8;
	[tilespmem:$0x1DE20] =	vst v63  }
0xeb: {  	_ =	swait.ge [sflag:s25], $0x3000  }
0xec: {  	[sflag:s25] =	ssyncset.done $0x0  }
0xed: {  	[sflag:s25] =	ssyncadd.s32 $0xFFFFD000  }
0xee: {  	_ =	swait.ge [sflag:s29], $0x3000  }
0xef: {  	[sflag:s29] =	ssyncset.done $0x0  }
0xf0: {  	[sflag:s29] =	ssyncadd.s32 $0xFFFFD000  }
0xf1: {  	_ =	swait.ge [sflag:s31], $0x3000  }
0xf2: {  	[sflag:s31] =	ssyncset.done $0x0  }
0xf3: {  	[sflag:s31] =	ssyncadd.s32 $0xFFFFD000  }
0xf4: {  	s28 =	simm.s32 $0xB4;
	_ =	swait.ge [sflag:s24], $0x60  }
.LBB2_2:
0xf5: {  	s30 =	rddreg [dreg:$0x6];
	s2 =	smov.u32 s28;
	[sflag:s24] =	ssyncset.done $0x0  }
0xf6: {  	s30 =	sadd.s32 s2, s30;
	[sflag:s24] =	ssyncadd.s32 $0xFFFFFFA0  }
0xf7: {  	[tilespmem:s5], [sflag:$0x8] =	stream.linear.gather [hbm4b:s30+s5], $0x5A0, $0x38;
	[tilespmem:$0x1DE20] =	vst v63  }
0xf8: {  	_ =	swait.ge [sflag:s13], $0x5A0  }
0xf9: {  	s30 =	rddreg [dreg:$0x5];
	[sflag:s13] =	ssyncset.done $0x0  }
0xfa: {  	[sflag:s13] =	ssyncadd.s32 $0xFFFFFA60;
	s2 =	sadd.s32 s2, s30  }
0xfb: {  	[tilespmem:s15], [sflag:$0x8] =	stream.linear.gather [hbm4b:s2+s5], $0x5A0, $0x38;
	[tilespmem:$0x1DE20] =	vst v63  }
0xfc: {  	_ =	swait.ge [sflag:s13], $0x5A0  }
0xfd: {  	[sflag:s13] =	ssyncset.done $0x0  }
0xfe: {  	[sflag:s13] =	ssyncadd.s32 $0xFFFFFA60  }
0xff: {  	[tilespmem:s17], [sflag:$0x1] =	stream.indirect.gather [hbm4b:s1+s16], $0x80, s5, s16, $0xb8;
	[tilespmem:$0x1DE20] =	vst v63  }
0x100: {  	_ = 	snop  }
0x101: {  	[tilespmem:s18], [sflag:$0x2] =	stream.indirect.gather [hbm4b:s1+s16], $0x80, s16, s16, $0xb8;
	[tilespmem:$0x1DE20] =	vst v63  }
0x102: {  	_ =	swait.ge [sflag:s19], $0x3000  }
0x103: {  	[sflag:s19] =	ssyncset.done $0x0  }
0x104: {  	[sflag:s19] =	ssyncadd.s32 $0xFFFFD000  }
0x105: {  	[spmem:s3] =	stream.indirect.scatter.add.f32 [tilespmem:s17], [sflag:$0x4], $0x80, s15, s16, $0xb8;
	[tilespmem:$0x1DE20] =	vst v63  }
0x106: {  	_ = 	snop  }
0x107: {  	[spmem:s4] =	stream.indirect.scatter.add.f32 [tilespmem:s20], [sflag:$0x7], $0x1, s15, s16, $0xb8;
	[tilespmem:$0x1DE20] =	vst v63  }
0x108: {  	s30 =	rddreg [dreg:$0x7]  }
0x109: {  	[tilespmem:s21], [sflag:$0x3] =	stream.indirect.gather [hbm4b:s1+s16], $0x80, s30, s16, $0xb8;
	[tilespmem:$0x1DE20] =	vst v63  }
0x10a: {  	_ =	swait.ge [sflag:s22], $0x3000  }
0x10b: {  	[sflag:s22] =	ssyncset.done $0x0  }
0x10c: {  	s30 =	simm.s32 $0x600;
	[sflag:s22] =	ssyncadd.s32 $0xFFFFD000  }
0x10d: {  	[spmem:s3] =	stream.indirect.scatter.add.f32 [tilespmem:s18], [sflag:$0x5], $0x80, s30, s16, $0xb8;
	[tilespmem:$0x1DE20] =	vst v63  }
0x10e: {  	_ =	swait.ge [sflag:s24], $0x60  }
0x10f: {  	[sflag:s24] =	ssyncset.done $0x0  }
0x110: {  	[sflag:s24] =	ssyncadd.s32 $0xFFFFFFA0  }
0x111: {  	[spmem:s4] =	stream.indirect.scatter.add.f32 [tilespmem:s20], [sflag:$0x7], $0x1, s30, s16, $0xb8;
	[tilespmem:$0x1DE20] =	vst v63  }
0x112: {  	_ =	swait.ge [sflag:s25], $0x3000  }
0x113: {  	[sflag:s25] =	ssyncset.done $0x0  }
0x114: {  	s30 =	rddreg [dreg:$0x8];
	[sflag:s25] =	ssyncadd.s32 $0xFFFFD000  }
0x115: {  	[tilespmem:s17], [sflag:$0x1] =	stream.indirect.gather [hbm4b:s1+s16], $0x80, s30, s16, $0xb8;
	[tilespmem:$0x1DE20] =	vst v63  }
0x116: {  	_ =	swait.ge [sflag:s26], $0x3000  }
0x117: {  	[sflag:s26] =	ssyncset.done $0x0  }
0x118: {  	s30 =	simm.s32 $0x660;
	[sflag:s26] =	ssyncadd.s32 $0xFFFFD000  }
0x119: {  	[spmem:s3] =	stream.indirect.scatter.add.f32 [tilespmem:s21], [sflag:$0x6], $0x80, s30, s16, $0xb8;
	[tilespmem:$0x1DE20] =	vst v63  }
0x11a: {  	_ =	swait.ge [sflag:s24], $0x60  }
0x11b: {  	[sflag:s24] =	ssyncset.done $0x0  }
0x11c: {  	[sflag:s24] =	ssyncadd.s32 $0xFFFFFFA0  }
0x11d: {  	[spmem:s4] =	stream.indirect.scatter.add.f32 [tilespmem:s20], [sflag:$0x7], $0x1, s30, s16, $0xb8;
	[tilespmem:$0x1DE20] =	vst v63  }
0x11e: {  	_ =	swait.ge [sflag:s29], $0x3000  }
0x11f: {  	[sflag:s29] =	ssyncset.done $0x0  }
0x120: {  	s30 =	rddreg [dreg:$0x9];
	[sflag:s29] =	ssyncadd.s32 $0xFFFFD000  }
0x121: {  	[tilespmem:s18], [sflag:$0x2] =	stream.indirect.gather [hbm4b:s1+s16], $0x80, s30, s16, $0xb8;
	[tilespmem:$0x1DE20] =	vst v63  }
0x122: {  	_ =	swait.ge [sflag:s19], $0x3000  }
0x123: {  	[sflag:s19] =	ssyncset.done $0x0  }
0x124: {  	s30 =	simm.s32 $0x6C0;
	[sflag:s19] =	ssyncadd.s32 $0xFFFFD000  }
0x125: {  	[spmem:s3] =	stream.indirect.scatter.add.f32 [tilespmem:s17], [sflag:$0x4], $0x80, s30, s16, $0xb8;
	[tilespmem:$0x1DE20] =	vst v63  }
0x126: {  	_ =	swait.ge [sflag:s24], $0x60  }
0x127: {  	[sflag:s24] =	ssyncset.done $0x0  }
0x128: {  	[sflag:s24] =	ssyncadd.s32 $0xFFFFFFA0  }
0x129: {  	[spmem:s4] =	stream.indirect.scatter.add.f32 [tilespmem:s20], [sflag:$0x7], $0x1, s30, s16, $0xb8;
	[tilespmem:$0x1DE20] =	vst v63  }
0x12a: {  	_ =	swait.ge [sflag:s31], $0x3000  }
0x12b: {  	[sflag:s31] =	ssyncset.done $0x0  }
0x12c: {  	s30 =	rddreg [dreg:$0xa];
	[sflag:s31] =	ssyncadd.s32 $0xFFFFD000  }
0x12d: {  	[tilespmem:s21], [sflag:$0x3] =	stream.indirect.gather [hbm4b:s1+s16], $0x80, s30, s16, $0xb8;
	[tilespmem:$0x1DE20] =	vst v63  }
0x12e: {  	_ =	swait.ge [sflag:s22], $0x3000  }
0x12f: {  	[sflag:s22] =	ssyncset.done $0x0  }
0x130: {  	s30 =	simm.s32 $0x720;
	[sflag:s22] =	ssyncadd.s32 $0xFFFFD000  }
0x131: {  	[spmem:s3] =	stream.indirect.scatter.add.f32 [tilespmem:s18], [sflag:$0x5], $0x80, s30, s16, $0xb8;
	[tilespmem:$0x1DE20] =	vst v63  }
0x132: {  	_ =	swait.ge [sflag:s24], $0x60  }
0x133: {  	[sflag:s24] =	ssyncset.done $0x0  }
0x134: {  	[sflag:s24] =	ssyncadd.s32 $0xFFFFFFA0  }
0x135: {  	[spmem:s4] =	stream.indirect.scatter.add.f32 [tilespmem:s20], [sflag:$0x7], $0x1, s30, s16, $0xb8;
	[tilespmem:$0x1DE20] =	vst v63  }
0x136: {  	_ =	swait.ge [sflag:s25], $0x3000  }
0x137: {  	[sflag:s25] =	ssyncset.done $0x0  }
0x138: {  	s30 =	rddreg [dreg:$0xb];
	[sflag:s25] =	ssyncadd.s32 $0xFFFFD000  }
0x139: {  	[tilespmem:s17], [sflag:$0x1] =	stream.indirect.gather [hbm4b:s1+s16], $0x80, s30, s16, $0xb8;
	[tilespmem:$0x1DE20] =	vst v63  }
0x13a: {  	_ =	swait.ge [sflag:s26], $0x3000  }
0x13b: {  	[sflag:s26] =	ssyncset.done $0x0  }
0x13c: {  	[sflag:s26] =	ssyncadd.s32 $0xFFFFD000  }
0x13d: {  	[spmem:s3] =	stream.indirect.scatter.add.f32 [tilespmem:s21], [sflag:$0x6], $0x80, s10, s16, $0xb8;
	[tilespmem:$0x1DE20] =	vst v63  }
0x13e: {  	_ =	swait.ge [sflag:s24], $0x60  }
0x13f: {  	[sflag:s24] =	ssyncset.done $0x0  }
0x140: {  	[sflag:s24] =	ssyncadd.s32 $0xFFFFFFA0  }
0x141: {  	[spmem:s4] =	stream.indirect.scatter.add.f32 [tilespmem:s20], [sflag:$0x7], $0x1, s10, s16, $0xb8;
	[tilespmem:$0x1DE20] =	vst v63  }
0x142: {  	_ =	swait.ge [sflag:s29], $0x3000  }
0x143: {  	[sflag:s29] =	ssyncset.done $0x0  }
0x144: {  	s30 =	rddreg [dreg:$0xc];
	[sflag:s29] =	ssyncadd.s32 $0xFFFFD000  }
0x145: {  	[tilespmem:s18], [sflag:$0x2] =	stream.indirect.gather [hbm4b:s1+s16], $0x80, s30, s16, $0xb8;
	[tilespmem:$0x1DE20] =	vst v63  }
0x146: {  	_ =	swait.ge [sflag:s19], $0x3000  }
0x147: {  	[sflag:s19] =	ssyncset.done $0x0  }
0x148: {  	[sflag:s19] =	ssyncadd.s32 $0xFFFFD000  }
0x149: {  	[spmem:s3] =	stream.indirect.scatter.add.f32 [tilespmem:s17], [sflag:$0x4], $0x80, s11, s16, $0xb8;
	[tilespmem:$0x1DE20] =	vst v63  }
0x14a: {  	_ =	swait.ge [sflag:s24], $0x60  }
0x14b: {  	[sflag:s24] =	ssyncset.done $0x0  }
0x14c: {  	[sflag:s24] =	ssyncadd.s32 $0xFFFFFFA0  }
0x14d: {  	[spmem:s4] =	stream.indirect.scatter.add.f32 [tilespmem:s20], [sflag:$0x7], $0x1, s11, s16, $0xb8;
	[tilespmem:$0x1DE20] =	vst v63  }
0x14e: {  	_ =	swait.ge [sflag:s31], $0x3000  }
0x14f: {  	[sflag:s31] =	ssyncset.done $0x0  }
0x150: {  	s30 =	rddreg [dreg:$0xd];
	[sflag:s31] =	ssyncadd.s32 $0xFFFFD000  }
0x151: {  	[tilespmem:s21], [sflag:$0x3] =	stream.indirect.gather [hbm4b:s1+s16], $0x80, s30, s16, $0xb8;
	[tilespmem:$0x1DE20] =	vst v63  }
0x152: {  	_ =	swait.ge [sflag:s22], $0x3000  }
0x153: {  	[sflag:s22] =	ssyncset.done $0x0  }
0x154: {  	[sflag:s22] =	ssyncadd.s32 $0xFFFFD000  }
0x155: {  	[spmem:s3] =	stream.indirect.scatter.add.f32 [tilespmem:s18], [sflag:$0x5], $0x80, s12, s16, $0xb8;
	[tilespmem:$0x1DE20] =	vst v63  }
0x156: {  	_ =	swait.ge [sflag:s24], $0x60  }
0x157: {  	[sflag:s24] =	ssyncset.done $0x0  }
0x158: {  	[sflag:s24] =	ssyncadd.s32 $0xFFFFFFA0  }
0x159: {  	[spmem:s4] =	stream.indirect.scatter.add.f32 [tilespmem:s20], [sflag:$0x7], $0x1, s12, s16, $0xb8;
	[tilespmem:$0x1DE20] =	vst v63  }
0x15a: {  	_ =	swait.ge [sflag:s25], $0x3000  }
0x15b: {  	[sflag:s25] =	ssyncset.done $0x0  }
0x15c: {  	s30 =	rddreg [dreg:$0xe];
	[sflag:s25] =	ssyncadd.s32 $0xFFFFD000  }
0x15d: {  	[tilespmem:s17], [sflag:$0x1] =	stream.indirect.gather [hbm4b:s1+s16], $0x80, s30, s16, $0xb8;
	[tilespmem:$0x1DE20] =	vst v63  }
0x15e: {  	_ =	swait.ge [sflag:s26], $0x3000  }
0x15f: {  	[sflag:s26] =	ssyncset.done $0x0  }
0x160: {  	[sflag:s26] =	ssyncadd.s32 $0xFFFFD000  }
0x161: {  	[spmem:s3] =	stream.indirect.scatter.add.f32 [tilespmem:s21], [sflag:$0x6], $0x80, s14, s16, $0xb8;
	[tilespmem:$0x1DE20] =	vst v63  }
0x162: {  	_ =	swait.ge [sflag:s24], $0x60  }
0x163: {  	[sflag:s24] =	ssyncset.done $0x0  }
0x164: {  	[sflag:s24] =	ssyncadd.s32 $0xFFFFFFA0  }
0x165: {  	[spmem:s4] =	stream.indirect.scatter.add.f32 [tilespmem:s20], [sflag:$0x7], $0x1, s14, s16, $0xb8;
	[tilespmem:$0x1DE20] =	vst v63  }
0x166: {  	_ =	swait.ge [sflag:s29], $0x3000  }
0x167: {  	[sflag:s29] =	ssyncset.done $0x0  }
0x168: {  	s30 =	rddreg [dreg:$0xf];
	[sflag:s29] =	ssyncadd.s32 $0xFFFFD000  }
0x169: {  	[tilespmem:s18], [sflag:$0x2] =	stream.indirect.gather [hbm4b:s1+s16], $0x80, s30, s16, $0xb8;
	[tilespmem:$0x1DE20] =	vst v63  }
0x16a: {  	_ =	swait.ge [sflag:s19], $0x3000  }
0x16b: {  	[sflag:s19] =	ssyncset.done $0x0  }
0x16c: {  	[sflag:s19] =	ssyncadd.s32 $0xFFFFD000  }
0x16d: {  	[spmem:s3] =	stream.indirect.scatter.add.f32 [tilespmem:s17], [sflag:$0x4], $0x80, s7, s16, $0xb8;
	[tilespmem:$0x1DE20] =	vst v63  }
0x16e: {  	_ =	swait.ge [sflag:s24], $0x60  }
0x16f: {  	[sflag:s24] =	ssyncset.done $0x0  }
0x170: {  	[sflag:s24] =	ssyncadd.s32 $0xFFFFFFA0  }
0x171: {  	[spmem:s4] =	stream.indirect.scatter.add.f32 [tilespmem:s20], [sflag:$0x7], $0x1, s7, s16, $0xb8;
	[tilespmem:$0x1DE20] =	vst v63  }
0x172: {  	_ =	swait.ge [sflag:s31], $0x3000  }
0x173: {  	[sflag:s31] =	ssyncset.done $0x0  }
0x174: {  	s30 =	rddreg [dreg:$0x10];
	[sflag:s31] =	ssyncadd.s32 $0xFFFFD000  }
0x175: {  	[tilespmem:s21], [sflag:$0x3] =	stream.indirect.gather [hbm4b:s1+s16], $0x80, s30, s16, $0xb8;
	[tilespmem:$0x1DE20] =	vst v63  }
0x176: {  	_ =	swait.ge [sflag:s22], $0x3000  }
0x177: {  	[sflag:s22] =	ssyncset.done $0x0  }
0x178: {  	[sflag:s22] =	ssyncadd.s32 $0xFFFFD000  }
0x179: {  	[spmem:s3] =	stream.indirect.scatter.add.f32 [tilespmem:s18], [sflag:$0x5], $0x80, s23, s16, $0xb8;
	[tilespmem:$0x1DE20] =	vst v63  }
0x17a: {  	_ =	swait.ge [sflag:s24], $0x60  }
0x17b: {  	[sflag:s24] =	ssyncset.done $0x0  }
0x17c: {  	[sflag:s24] =	ssyncadd.s32 $0xFFFFFFA0  }
0x17d: {  	[spmem:s4] =	stream.indirect.scatter.add.f32 [tilespmem:s20], [sflag:$0x7], $0x1, s23, s16, $0xb8;
	[tilespmem:$0x1DE20] =	vst v63  }
0x17e: {  	_ =	swait.ge [sflag:s25], $0x3000  }
0x17f: {  	[sflag:s25] =	ssyncset.done $0x0  }
0x180: {  	s30 =	rddreg [dreg:$0x11];
	[sflag:s25] =	ssyncadd.s32 $0xFFFFD000  }
0x181: {  	[tilespmem:s17], [sflag:$0x1] =	stream.indirect.gather [hbm4b:s1+s16], $0x80, s30, s16, $0xb8;
	[tilespmem:$0x1DE20] =	vst v63  }
0x182: {  	_ =	swait.ge [sflag:s26], $0x3000  }
0x183: {  	[sflag:s26] =	ssyncset.done $0x0  }
0x184: {  	[sflag:s26] =	ssyncadd.s32 $0xFFFFD000  }
0x185: {  	[spmem:s3] =	stream.indirect.scatter.add.f32 [tilespmem:s21], [sflag:$0x6], $0x80, s0, s16, $0xb8;
	[tilespmem:$0x1DE20] =	vst v63  }
0x186: {  	_ =	swait.ge [sflag:s24], $0x60  }
0x187: {  	[sflag:s24] =	ssyncset.done $0x0  }
0x188: {  	[sflag:s24] =	ssyncadd.s32 $0xFFFFFFA0  }
0x189: {  	[spmem:s4] =	stream.indirect.scatter.add.f32 [tilespmem:s20], [sflag:$0x7], $0x1, s0, s16, $0xb8;
	[tilespmem:$0x1DE20] =	vst v63  }
0x18a: {  	_ =	swait.ge [sflag:s29], $0x3000  }
0x18b: {  	[sflag:s29] =	ssyncset.done $0x0  }
0x18c: {  	s30 =	rddreg [dreg:$0x12];
	[sflag:s29] =	ssyncadd.s32 $0xFFFFD000  }
0x18d: {  	[tilespmem:s18], [sflag:$0x2] =	stream.indirect.gather [hbm4b:s1+s16], $0x80, s30, s16, $0xb8;
	[tilespmem:$0x1DE20] =	vst v63  }
0x18e: {  	_ =	swait.ge [sflag:s19], $0x3000  }
0x18f: {  	[sflag:s19] =	ssyncset.done $0x0  }
0x190: {  	[sflag:s19] =	ssyncadd.s32 $0xFFFFD000  }
0x191: {  	[spmem:s3] =	stream.indirect.scatter.add.f32 [tilespmem:s17], [sflag:$0x4], $0x80, s6, s16, $0xb8;
	[tilespmem:$0x1DE20] =	vst v63  }
0x192: {  	_ =	swait.ge [sflag:s24], $0x60  }
0x193: {  	[sflag:s24] =	ssyncset.done $0x0  }
0x194: {  	[sflag:s24] =	ssyncadd.s32 $0xFFFFFFA0  }
0x195: {  	[spmem:s4] =	stream.indirect.scatter.add.f32 [tilespmem:s20], [sflag:$0x7], $0x1, s6, s16, $0xb8;
	[tilespmem:$0x1DE20] =	vst v63  }
0x196: {  	_ =	swait.ge [sflag:s31], $0x3000  }
0x197: {  	[sflag:s31] =	ssyncset.done $0x0  }
0x198: {  	s30 =	rddreg [dreg:$0x13];
	[sflag:s31] =	ssyncadd.s32 $0xFFFFD000  }
0x199: {  	[tilespmem:s21], [sflag:$0x3] =	stream.indirect.gather [hbm4b:s1+s16], $0x80, s30, s16, $0xb8;
	[tilespmem:$0x1DE20] =	vst v63  }
0x19a: {  	_ =	swait.ge [sflag:s22], $0x3000  }
0x19b: {  	[sflag:s22] =	ssyncset.done $0x0  }
0x19c: {  	[sflag:s22] =	ssyncadd.s32 $0xFFFFD000  }
0x19d: {  	[spmem:s3] =	stream.indirect.scatter.add.f32 [tilespmem:s18], [sflag:$0x5], $0x80, s8, s16, $0xb8;
	[tilespmem:$0x1DE20] =	vst v63  }
0x19e: {  	_ =	swait.ge [sflag:s24], $0x60  }
0x19f: {  	[sflag:s24] =	ssyncset.done $0x0  }
0x1a0: {  	[sflag:s24] =	ssyncadd.s32 $0xFFFFFFA0  }
0x1a1: {  	[spmem:s4] =	stream.indirect.scatter.add.f32 [tilespmem:s20], [sflag:$0x7], $0x1, s8, s16, $0xb8;
	[tilespmem:$0x1DE20] =	vst v63  }
0x1a2: {  	_ =	swait.ge [sflag:s26], $0x3000  }
0x1a3: {  	[sflag:s26] =	ssyncset.done $0x0  }
0x1a4: {  	[sflag:s26] =	ssyncadd.s32 $0xFFFFD000  }
0x1a5: {  	[spmem:s3] =	stream.indirect.scatter.add.f32 [tilespmem:s21], [sflag:$0x6], $0x80, s9, s16, $0xb8;
	[tilespmem:$0x1DE20] =	vst v63  }
0x1a6: {  	_ =	swait.ge [sflag:s24], $0x60  }
0x1a7: {  	[sflag:s24] =	ssyncset.done $0x0  }
0x1a8: {  	[sflag:s24] =	ssyncadd.s32 $0xFFFFFFA0  }
0x1a9: {  	[spmem:s4] =	stream.indirect.scatter.add.f32 [tilespmem:s20], [sflag:$0x7], $0x1, s9, s16, $0xb8;
	[tilespmem:$0x1DE20] =	vst v63  }
0x1aa: {  	_ =	swait.ge [sflag:s25], $0x3000  }
0x1ab: {  	[sflag:s25] =	ssyncset.done $0x0  }
0x1ac: {  	[sflag:s25] =	ssyncadd.s32 $0xFFFFD000  }
0x1ad: {  	_ =	swait.ge [sflag:s29], $0x3000  }
0x1ae: {  	p0 =	sne.s32 s28, $0x438;
	[sflag:s29] =	ssyncset.done $0x0  }
.Ltmp0:
0x1af: {  	[sflag:s29] =	ssyncadd.s32 $0xFFFFD000;
	(pc) =	sbr.rel @p0 .LBB2_2-.Ltmp0, $4  }
0x1b0: {  	_ =	swait.ge [sflag:s31], $0x3000  }
0x1b1: {  	[sflag:s31] =	ssyncset.done $0x0  }
0x1b2: {  	[sflag:s31] =	ssyncadd.s32 $0xFFFFD000  }
0x1b3: {  	s28 =	sadd.s32 $0xB4, s28;
	_ =	swait.ge [sflag:s24], $0x60  }
0x1b4: {  	[sflag:s24] =	ssyncset.done $0x0  }
0x1b5: {  	[sflag:s24] =	ssyncadd.s32 $0xFFFFFFA0  }
0x1b6: {  	[bflag:$0x0] =	sbarrier.arrive $0xFFFF  }
0x1b7: {  	s28 =	rddreg [dreg:$0x15]  }
0x1b8: {  	s2 =	rddreg [dreg:$0x17]  }
0x1b9: {  	s6 =	rddreg [dreg:$0x1a]  }
0x1ba: {  	[hbm:s2], [sflag:s28] =	dma.local [spmem:s6], $0x2800  }
0x1bb: {  	_ =	swait.ge [sflag:s13], $0x2800  }
0x1bc: {  	[sflag:s13] =	ssyncset.done $0x0;
	s0 =	rddreg [dreg:$0x18]  }
0x1bd: {  	s30 =	rddreg [dreg:$0x1b];
	[sflag:s13] =	ssyncadd.s32 $0xFFFFD800  }
0x1be: {  	[hbm:s0], [sflag:s28] =	dma.local [spmem:s30], $0x50  }
0x1bf: {  	_ =	swait.ge [sflag:s13], $0x50  }
0x1c0: {  	s0 =	rddreg [dreg:$0x1c]  }
0x1c1: {  	s2 =	rddreg [dreg:$0x19];
	s0 =	sadd.s32 $0x1, s0  }
0x1c2: {  	p0 =	sne.s32 s0, s2  }
.Ltmp1:
0x1c3: {  	_ = 	snop;
	(pc) =	sbr.rel @p0 .LBB2_1-.Ltmp1, $3  }
0x1c4: {  	_ =	sdelay $0x1  }
0x1c5: {  	[sflag:s13] =	ssyncset.done $0x0  }
0x1c6: {  	[sflag:s13] =	ssyncadd.s32 $0xFFFFFFB0  }
0x1c7: {  	_ =	sfence.sel $0x180000  }
0x1c8: {  	[bflag:$0x0] =	sbarrier.arrive $0xFFFF  }
0x1c9: {  	_ =	strace $0x90000047  }
0x1ca: {  	s0 =	stileid.u32;
	[bflag:$0x2] =	sbarrier.arrive $0xFFFF  }
0x1cb: {  	p0 =	sne.s32 s0, $0x0;
	s0 =	rddreg [dreg:$0x4]  }
0x1cc: {  	s0 =	sadd.s32 @!p0 $0x100000, s0  }
0x1cd: {  	[sflag:s0] =	ssyncadd.tile.s32 @!p0 $0x1;
	_ =	shalt  }
.Lfunc_end2:
_tile_overlayer_lowered:
.L_overlay_start_2:
0x1ce: {  	(tag) =	ssettag $0x2  }
0x1cf: {  	s0 =	rddreg [dreg:$0x0];
	s2 =	stileid.u32  }
0x1d0: {  	s1 =	rddreg [dreg:$0x1];
	p0 =	sne.s32 s2, $0x0  }
0x1d1: {  	s3 =	rddreg [dreg:$0x2];
	[bflag:$0x3] =	sbarrier.arrive $0xFFFF;
	s2 =	simm.s32 @!p0 $0x1C08  }
0x1d2: {  	[timem:s3], [sflag:s2] =	dma.local @!p0 [hbm:s0], s1  }
0x1d3: {  	s0 =	simm.s32 @!p0 $0x8  }
0x1d4: {  	_ =	swait.ge @!p0 [sflag:s0], s1  }
0x1d5: {  	s1 =	ssub.s32 @!p0 $0x0, s1;
	[sflag:s0] =	ssyncset.done @!p0 $0x0  }
0x1d6: {  	[sflag:s0] =	ssyncadd.s32 @!p0 s1  }
0x1d7: {  	[bflag:$0x3] =	sbarrier.arrive $0xFFFF  }
0x1d8: {  	_ =	shalt  }

// kernel: kernel.9.cloned.1.call-start
scs
__scs_entry_jumppad:
0x0: {  	(pc) =	sbr.rel $0x88, $3  }
0x1: {  	(tag) =	ssettag $0x0;
	lr =	simm.s32 $0x1  }
0x2: {  	[smem:$0x3F8C] =	sst lr;
	_ =	strace $0xD0000000  }
0x3: {  	_ = 	snop  }
0x4: {  	_ = 	snop  }
0x5: {  	_ = 	snop  }
0x6: {  	_ = 	snop  }
0x7: {  	_ = 	snop  }
__scs_overlays_trampoline_lowered:
0x8: {  	[smem:$0x3F9B] =	sst s0  }
0x9: {  	[smem:$0x3F9C] =	sst s1  }
0xa: {  	[smem:$0x3F9D] =	sst s2  }
0xb: {  	[smem:$0x3F9E] =	sst s3  }
0xc: {  	[smem:$0x3F9F] =	sst s4  }
0xd: {  	[smem:$0x3FA0] =	sst s5  }
0xe: {  	[smem:$0x3FA1] =	sst s6  }
0xf: {  	[smem:$0x3FA2] =	sst s7  }
0x10: {  	[smem:$0x3FA3] =	sst s8  }
0x11: {  	[smem:$0x3FA4] =	sst s9;
	s0 =	simm.s32 @!p0 $0x0  }
0x12: {  	s1 =	sld [smem:$0x3F8A];
	s0 =	simm.s32 @p0 $0x1  }
0x13: {  	[smem:$0x3FA5] =	sst s0;
	s0 =	simm.s32 @!p1 $0x0  }
0x14: {  	s2 =	sld [smem:$0x3F89];
	s0 =	simm.s32 @p1 $0x1  }
0x15: {  	[smem:$0x3FA6] =	sst s0;
	s0 =	simm.s32 @!p2 $0x0  }
0x16: {  	s3 =	sld [smem:$0x3FDB];
	s0 =	simm.s32 @p2 $0x1  }
0x17: {  	s4 =	simm.s32 $0x1BF5;
	[smem:$0x3FA8] =	sst s0  }
0x18: {  	s0 =	sld [smem:$0x3F8B];
	_ =	swait.ge [sflag:s4], $0x0  }
0x19: {  	s7 =	sld [smem:$0x3F8C]  }
0x1a: {  	s8 =	sadd.s32 $0xFFFFE003, lr  }
0x1b: {  	s9 =	sadd.s32 $0xFFFFFEF7, lr;
	s5 =	simm.s32 $0xFFFFFFFF;
	p2 =	slt.u32 s8, $0xFFFFF086  }
0x1c: {  	p1 =	slt.u32 s9, $0xF7A;
	s5 =	simm.s32 @!p2 $0x0  }
0x1d: {  	s5 =	simm.s32 @p1 $0x1;
	p0 =	seq.s32 s7, s2  }
0x1e: {  	s7 =	smul.u32 @!p0 $0xF7A, s2;
	p2 =	seq.s32 @!p0 s5, $0x0  }
0x1f: {  	s9 =	smul.u32 $0xF7A, s1;
	s8 =	simm.s32 @!p0 $0x1BF5;
	p2 =	por !p2, p0  }
0x20: {  	[sflag:s8] =	ssyncset.s32 @!p0 $0xFFFFF086;
	s6 =	sadd.s32 @!p0 s3, s7;
	s7 =	simm.s32 @!p0 $0x108  }
0x21: {  	s3 =	sadd.s32 s3, s9;
	s6 =	sadd.s32 @!p0 $0x88, s6;
	s7 =	simm.s32 @p2 $0x1082  }
0x22: {  	[simem:s7], [sflag:s8] =	dma.local @!p0 [hbm:s6], $0xF7A  }
0x23: {  	s9 =	sor.u32 $0xD0000000, s2;
	s6 =	simm.s32 $0x108;
	_ =	swait.ge @!p0 [sflag:s8], $0x0  }
0x24: {  	s3 =	sadd.s32 $0x88, s3;
	s6 =	simm.s32 @!p1 $0x1082;
	[sflag:s4] =	ssyncset.s32 $0xFFFFF086  }
0x25: {  	[simem:s6], [sflag:s4] =	dma.local [hbm:s3], $0xF7A  }
0x26: {  	[smem:$0x3F8C] =	sst s1;
	(tag) =	ssettag s2;
	_ =	strace s9  }
0x27: {  	s1 =	sld [smem:$0x3F9C]  }
0x28: {  	s2 =	sld [smem:$0x3F9D]  }
0x29: {  	s4 =	sld [smem:$0x3F9F]  }
0x2a: {  	p0 =	seq.s32 s5, $0x0;
	s5 =	sld [smem:$0x3FA0]  }
0x2b: {  	s6 =	sld [smem:$0x3FA1]  }
0x2c: {  	s7 =	sld [smem:$0x3FA2]  }
0x2d: {  	s3 =	simm.s32 $0x108;
	s8 =	sld [smem:$0x3FA3]  }
0x2e: {  	s3 =	simm.s32 @!p0 $0x1082;
	s9 =	sld [smem:$0x3FA4]  }
0x2f: {  	lr =	sadd.s32 s0, s3;
	s0 =	sld [smem:$0x3F9B]  }
0x30: {  	s3 =	sld [smem:$0x3F9E]  }
0x31: {  	[smem:$0x3FA7] =	sst s10  }
0x32: {  	s10 =	sld [smem:$0x3FA5];
	_ =	sdelay $0x3  }
0x33: {  	p0 =	seq.s32 s10, $0x1;
	s10 =	sld [smem:$0x3FA7];
	_ =	sdelay $0x3  }
0x34: {  	[smem:$0x3FA7] =	sst s10  }
0x35: {  	s10 =	sld [smem:$0x3FA6];
	_ =	sdelay $0x3  }
0x36: {  	p1 =	seq.s32 s10, $0x1;
	s10 =	sld [smem:$0x3FA7];
	_ =	sdelay $0x3  }
0x37: {  	[smem:$0x3FA7] =	sst s10  }
0x38: {  	s10 =	sld [smem:$0x3FA8]  }
0x39: {  	_ = 	snop;
	(pc) =	sbr.ind lr, $3  }
0x3a: {  	_ = 	snop  }
0x3b: {  	_ = 	snop  }
0x3c: {  	p2 =	seq.s32 s10, $0x1;
	s10 =	sld [smem:$0x3FA7]  }
0x3d: {  	_ =	shalt  }
0x3e: {  	_ =	shalt  }
0x3f: {  	_ =	shalt  }
0x40: {  	_ =	shalt  }
0x41: {  	_ =	shalt  }
0x42: {  	_ =	shalt  }
0x43: {  	_ =	shalt  }
0x44: {  	_ =	shalt  }
0x45: {  	_ =	shalt  }
0x46: {  	_ =	shalt  }
0x47: {  	_ =	shalt  }
0x48: {  	_ =	shalt  }
0x49: {  	_ =	shalt  }
0x4a: {  	_ =	shalt  }
0x4b: {  	_ =	shalt  }
0x4c: {  	_ =	shalt  }
0x4d: {  	_ =	shalt  }
0x4e: {  	_ =	shalt  }
0x4f: {  	_ =	shalt  }
0x50: {  	_ =	shalt  }
0x51: {  	_ =	shalt  }
0x52: {  	_ =	shalt  }
0x53: {  	_ =	shalt  }
0x54: {  	_ =	shalt  }
0x55: {  	_ =	shalt  }
0x56: {  	_ =	shalt  }
0x57: {  	_ =	shalt  }
0x58: {  	_ =	shalt  }
0x59: {  	_ =	shalt  }
0x5a: {  	_ =	shalt  }
0x5b: {  	_ =	shalt  }
0x5c: {  	_ =	shalt  }
0x5d: {  	_ =	shalt  }
0x5e: {  	_ =	shalt  }
0x5f: {  	_ =	shalt  }
0x60: {  	_ =	shalt  }
0x61: {  	_ =	shalt  }
0x62: {  	_ =	shalt  }
0x63: {  	_ =	shalt  }
0x64: {  	_ =	shalt  }
0x65: {  	_ =	shalt  }
0x66: {  	_ =	shalt  }
0x67: {  	_ =	shalt  }
0x68: {  	_ =	shalt  }
0x69: {  	_ =	shalt  }
0x6a: {  	_ =	shalt  }
0x6b: {  	_ =	shalt  }
0x6c: {  	_ =	shalt  }
0x6d: {  	_ =	shalt  }
0x6e: {  	_ =	shalt  }
0x6f: {  	_ =	shalt  }
0x70: {  	_ =	shalt  }
0x71: {  	_ =	shalt  }
0x72: {  	_ =	shalt  }
0x73: {  	_ =	shalt  }
0x74: {  	_ =	shalt  }
0x75: {  	_ =	shalt  }
0x76: {  	_ =	shalt  }
0x77: {  	_ =	shalt  }
0x78: {  	_ =	shalt  }
0x79: {  	_ =	shalt  }
0x7a: {  	_ =	shalt  }
0x7b: {  	_ =	shalt  }
0x7c: {  	_ =	shalt  }
0x7d: {  	_ =	shalt  }
0x7e: {  	_ =	shalt  }
0x7f: {  	_ =	shalt  }
0x80: {  	_ =	shalt  }
0x81: {  	_ =	shalt  }
0x82: {  	_ =	shalt  }
0x83: {  	_ =	shalt  }
0x84: {  	_ =	shalt  }
0x85: {  	_ =	shalt  }
0x86: {  	_ =	shalt  }
0x87: {  	_ =	shalt  }
.Lfunc_end0:
.L_simem_size_0:
called_computation.1_lowered:
.L_overlay_start_0:
0x88: {  	s2 =	sld [smem:$0x3FD9]  }
0x89: {  	s3 =	sld [smem:$0x3FFE];
	_ =	sdelay $0x1  }
0x8a: {  	s1 =	srdreg.scid  }
0x8b: {  	s0 =	sand.u32 $0x1, s1  }
0x8c: {  	s16 =	sshll.u32 s0, $0xA;
	s2 =	sadd.s32 s3, s2  }
0x8d: {  	s2 =	sadd.s32 s2, s16  }
0x8e: {  	[smem:$0x3FB3] =	sst s2  }
0x8f: {  	_ = 	snop  }
0x90: {  	(tm) =	ssettm $0x1  }
0x91: {  	s17 =	sld [smem:$0x3FFB];
	_ =	sdelay $0x3  }
0x92: {  	_ =	strace s17  }
0x93: {  	s2 =	sld [smem:$0x3FFC];
	_ =	sdelay $0x3  }
0x94: {  	_ =	strace s2  }
0x95: {  	s2 =	sld [smem:$0x3FFD];
	_ =	sdelay $0x3  }
0x96: {  	_ =	strace s2  }
0x97: {  	_ =	strace $0x8FFFFFFF  }
0x98: {  	s18 =	sld [smem:$0x3FDB];
	_ =	sdelay $0x1  }
0x99: {  	s19 =	simm.s32 $_scs_section_size  }
0x9a: {  	s4 =	simm.s32 $_size__tile_overlayer_lowered;
	s5 =	simm.s32 $_tile_overlayer_lowered  }
0x9b: {  	s22 =	simm.s32 $0x1BFF;
	s21 =	sshll.u32 s5, $0x1;
	s2 =	sadd.s32 s19, s18  }
0x9c: {  	s6 =	simm.s32 $0x0;
	s20 =	sshll.u32 s4, $0x1;
	s4 =	sadd.s32 s21, s2  }
0x9d: {  	[timem:s6], [sflag:s22] =	dma.local [hbm:s4], s20  }
0x9e: {  	_ =	swait.ge [sflag:s22], s20  }
0x9f: {  	s3 =	ssub.s32 $0x0, s20;
	[sflag:s22] =	ssyncset.done $0x0  }
0xa0: {  	[sflag:s22] =	ssyncadd.s32 s3;
	_ =	sdelay $0x1  }
0xa1: {  	s23 =	simm.s32 $0x1B8B  }
0xa2: {  	_ =	swait.ge [sflag:s23], $0x1  }
0xa3: {  	[sflag:s23] =	ssyncset.done $0x0  }
0xa4: {  	s25 =	simm.s32 $0x1B8E;
	s24 =	sld [smem:$0x3FFE];
	[sflag:s23] =	ssyncadd.s32 $0xFFFFFFFF  }
0xa5: {  	s26 =	simm.s32 $execute0_lowered;
	[smem:$0x3FD2] =	sst s25  }
0xa6: {  	s4 =	sshll.u32 s26, $0x1;
	_ =	strace $0x80000049;
	[dreg:$0x1] =	wrdreg $0xFFFFFFFF  }
0xa7: {  	s28 =	simm.s32 $_size_execute0_lowered;
	s2 =	sadd.s32 s2, s4;
	[dreg:$0x0] =	wrdreg $0x0  }
0xa8: {  	s4 =	sshll.u32 s28, $0x1;
	[dreg:$0x2] =	wrdreg s2  }
0xa9: {  	[dreg:$0x3] =	wrdreg s4  }
0xaa: {  	[dreg:$0x4] =	wrdreg $0xC0  }
0xab: {  	_ =	task [dreg:s6], $0x5FFFF  }
0xac: {  	[dreg:$0x1] =	wrdreg $0xFFFFFFFF  }
0xad: {  	[dreg:$0x0] =	wrdreg $0x60  }
0xae: {  	[dreg:$0x2] =	wrdreg s24  }
0xaf: {  	[dreg:$0x3] =	wrdreg $0x72C00  }
0xb0: {  	[dreg:$0x4] =	wrdreg $0x9  }
0xb1: {  	_ =	task.clear_ibuf [dreg:s6], $0x5FFFF;
	_ =	strace $0x90000049  }
0xb2: {  	s29 =	simm.s32 $0x9;
	_ =	strace $0x8000004B  }
0xb3: {  	_ =	swait.ge [sflag:s29], $0x1  }
0xb4: {  	[sflag:s29] =	ssyncadd.s32 $0xFFFFFFFF  }
0xb5: {  	_ =	strace $0x9000004B  }
0xb6: {  	_ =	sfence  }
0xb7: {  	s30 =	sld [smem:$0x0];
	_ =	sdelay $0x2  }
0xb8: {  	s31 =	sshll.u32 s1, $0xD;
	s1 =	sshrl.u32 s1, $0x2  }
0xb9: {  	s3 =	sand.u32 $0x4000, s31;
	s1 =	sadd.s32 s1, s30  }
0xba: {  	s0 =	sor.u32 s3, s0;
	s1 =	sshll.u32 s1, $0x11  }
0xbb: {  	s0 =	sor.u32 s1, s0  }
0xbc: {  	s0 =	sadd.s32 $0x8F2B, s0  }
0xbd: {  	[sflag:s0] =	ssyncadd.remote.s32 $0x1  }
0xbe: {  	_ =	sfence.sel $0xFFFF  }
0xbf: {  	[dreg:$0x0] =	wrdreg $0xFFFFFFFF;
	(pc) =	sbr.abs _section_cstart, $3  }
0xc0: {  	[dreg:$0x1] =	wrdreg $0xFFFFFFFF  }
0xc1: {  	_ =	task.clear_ibuf [dreg:s6], $0x2FFFF;
	_ =	strace $0x9FFFFFFF  }
0xc2: {  	(tm) =	ssettm $0x7FFFFFFF  }
0xc3: {  	_ =	shalt  }
tec
execute0_lowered:
.L_overlay_start_1:
0x0: {  	(tag) =	ssettag $0x1  }
0x1: {  	s0 =	srdreg.scid;
	s5 =	rddreg [dreg:$0x0]  }
0x2: {  	s12 =	stileid.u32;
	s2 =	rddreg [dreg:$0x1];
	s3 =	simm.s32 $0x0  }
0x3: {  	s13 =	simm.s32 $0x2760;
	s14 =	simm.s32 $0x60;
	s15 =	simm.s32 $0x4EC0  }
0x4: {  	s16 =	simm.s32 $0x5AC0;
	s17 =	simm.s32 $0x1;
	s19 =	simm.s32 $0x66C0  }
0x5: {  	s20 =	simm.s32 $0x2;
	s22 =	simm.s32 $0x4;
	s24 =	simm.s32 $0x3  }
0x6: {  	s25 =	simm.s32 $0x2820;
	s28 =	simm.s32 $0x180;
	s29 =	simm.s32 $0x2880  }
0x7: {  	s30 =	simm.s32 $0x6;
	s31 =	simm.s32 $0x1E0;
	s0 =	sand.u32 $0x1, s0  }
0x8: {  	s1 =	sshll.u32 s12, $0x1;
	s6 =	smul.u32 $0x5000, s12;
	[smem:$0x7FF] =	sst s3  }
0x9: {  	s4 =	sadd.s32 $0x16C00, s5;
	s26 =	sshll.u32 s12, $0x6;
	s12 =	simm.s32 $0x7  }
0xa: {  	s1 =	sor.u32 s0, s1;
	s7 =	smul.u32 $0x50000, s0;
	_ =	strace $0x8000004A  }
0xb: {  	s0 =	ssub.s32 $0x2, s0;
	s1 =	smul.u32 $0x4EC, s1;
	s8 =	sshrl.u32 s6, $0x3  }
0xc: {  	s9 =	sshrl.u32 s0, $0x1;
	s11 =	sadd.s32 s6, s2;
	s7 =	sadd.s32 s6, s7  }
0xd: {  	s8 =	sadd.s32 s8, s5;
	s0 =	ssub.s32 s0, s9;
	s6 =	sor.u32 $0x1C07, s26  }
0xe: {  	s11 =	sshrl.u32 s11, $0x3;
	s26 =	simm.s32 $0x5;
	s7 =	sshrl.u32 s7, $0x3  }
0xf: {  	s1 =	sadd.s32 s1, s5;
	s10 =	sadd.s32 s7, s5;
	s5 =	sadd.s32 $0x20C00, s8  }
0x10: {  	s7 =	sadd.s32 $0xC800, s1;
	s8 =	sadd.s32 $0x2A00, s1;
	s1 =	simm.s32 $0x28E0  }
0x11: {  	s9 =	sadd.s32 $0x2AC00, s10;
	s10 =	smax.u32 s0, $0x1;
	s0 =	simm.s32 $0x0  }
.LBB2_1:
0x12: {  	[spmem:s11], [sflag:s6] =	dma.local [hbm:s5], $0xA00  }
0x13: {  	_ =	swait.ge [sflag:s12], $0xA00  }
0x14: {  	[sflag:s12] =	ssyncset.done $0x0  }
0x15: {  	[sflag:s12] =	ssyncadd.s32 $0xFFFFF600  }
0x16: {  	[bflag:$0x0] =	sbarrier.arrive $0xFFFF  }
0x17: {  	[tilespmem:s3], [sflag:$0x7] =	stream.linear.gather [hbm4b:s7+s3], $0x2760, $0x38;
	[tilespmem:$0xC2C0] =	vst v63  }
0x18: {  	_ =	swait.ge [sflag:s12], $0x2760  }
0x19: {  	[sflag:s12] =	ssyncset.done $0x0  }
0x1a: {  	[sflag:s12] =	ssyncadd.s32 $0xFFFFD8A0  }
0x1b: {  	[tilespmem:s13], [sflag:$0x7] =	stream.linear.gather [hbm4b:s8+s3], $0x2760, $0x38;
	[tilespmem:$0xC2C0] =	vst v63  }
0x1c: {  	_ =	swait.ge [sflag:s12], $0x2760  }
0x1d: {  	[sflag:s12] =	ssyncset.done $0x0  }
0x1e: {  	[sflag:s12] =	ssyncadd.s32 $0xFFFFD8A0  }
0x1f: {  	[tilespmem:s15], [sflag:$0x1] =	stream.indirect.gather [hbm4b:s4+s14], $0x20, s3, s14, $0xb8;
	[tilespmem:$0xC2C0] =	vst v63  }
0x20: {  	_ = 	snop  }
0x21: {  	[tilespmem:s16], [sflag:$0x2] =	stream.indirect.gather [hbm4b:s4+s14], $0x20, s14, s14, $0xb8;
	[tilespmem:$0xC2C0] =	vst v63  }
0x22: {  	_ =	swait.ge [sflag:s17], $0xC00  }
0x23: {  	[sflag:s17] =	ssyncset.done $0x0  }
0x24: {  	[sflag:s17] =	ssyncadd.s32 $0xFFFFF400  }
0x25: {  	[spmem:s2] =	stream.indirect.scatter.add.f32 [tilespmem:s15], [sflag:$0x4], $0x20, s13, s14, $0xb8;
	[tilespmem:$0xC2C0] =	vst v63  }
0x26: {  	s18 =	simm.s32 $0xC0  }
0x27: {  	[tilespmem:s19], [sflag:$0x3] =	stream.indirect.gather [hbm4b:s4+s14], $0x20, s18, s14, $0xb8;
	[tilespmem:$0xC2C0] =	vst v63  }
0x28: {  	_ =	swait.ge [sflag:s20], $0xC00  }
0x29: {  	[sflag:s20] =	ssyncset.done $0x0  }
0x2a: {  	s23 =	simm.s32 $0x27C0;
	[sflag:s20] =	ssyncadd.s32 $0xFFFFF400  }
0x2b: {  	[spmem:s2] =	stream.indirect.scatter.add.f32 [tilespmem:s16], [sflag:$0x5], $0x20, s23, s14, $0xb8;
	[tilespmem:$0xC2C0] =	vst v63  }
0x2c: {  	_ =	swait.ge [sflag:s22], $0xC00  }
0x2d: {  	[sflag:s22] =	ssyncset.done $0x0  }
0x2e: {  	s21 =	simm.s32 $0x120;
	[sflag:s22] =	ssyncadd.s32 $0xFFFFF400  }
0x2f: {  	[tilespmem:s15], [sflag:$0x1] =	stream.indirect.gather [hbm4b:s4+s14], $0x20, s21, s14, $0xb8;
	[tilespmem:$0xC2C0] =	vst v63  }
0x30: {  	_ =	swait.ge [sflag:s24], $0xC00  }
0x31: {  	[sflag:s24] =	ssyncset.done $0x0  }
0x32: {  	[sflag:s24] =	ssyncadd.s32 $0xFFFFF400  }
0x33: {  	[spmem:s2] =	stream.indirect.scatter.add.f32 [tilespmem:s19], [sflag:$0x6], $0x20, s25, s14, $0xb8;
	[tilespmem:$0xC2C0] =	vst v63  }
0x34: {  	_ =	swait.ge [sflag:s26], $0xC00  }
0x35: {  	[sflag:s26] =	ssyncset.done $0x0  }
0x36: {  	[sflag:s26] =	ssyncadd.s32 $0xFFFFF400  }
0x37: {  	[tilespmem:s16], [sflag:$0x2] =	stream.indirect.gather [hbm4b:s4+s14], $0x20, s28, s14, $0xb8;
	[tilespmem:$0xC2C0] =	vst v63  }
0x38: {  	_ =	swait.ge [sflag:s17], $0xC00  }
0x39: {  	[sflag:s17] =	ssyncset.done $0x0  }
0x3a: {  	[sflag:s17] =	ssyncadd.s32 $0xFFFFF400  }
0x3b: {  	[spmem:s2] =	stream.indirect.scatter.add.f32 [tilespmem:s15], [sflag:$0x4], $0x20, s29, s14, $0xb8;
	[tilespmem:$0xC2C0] =	vst v63  }
0x3c: {  	_ =	swait.ge [sflag:s30], $0xC00  }
0x3d: {  	[sflag:s30] =	ssyncset.done $0x0  }
0x3e: {  	[sflag:s30] =	ssyncadd.s32 $0xFFFFF400  }
0x3f: {  	[tilespmem:s19], [sflag:$0x3] =	stream.indirect.gather [hbm4b:s4+s14], $0x20, s31, s14, $0xb8;
	[tilespmem:$0xC2C0] =	vst v63  }
0x40: {  	_ =	swait.ge [sflag:s20], $0xC00  }
0x41: {  	[sflag:s20] =	ssyncset.done $0x0  }
0x42: {  	[sflag:s20] =	ssyncadd.s32 $0xFFFFF400  }
0x43: {  	[spmem:s2] =	stream.indirect.scatter.add.f32 [tilespmem:s16], [sflag:$0x5], $0x20, s1, s14, $0xb8;
	[tilespmem:$0xC2C0] =	vst v63  }
0x44: {  	_ =	swait.ge [sflag:s22], $0xC00  }
0x45: {  	[sflag:s22] =	ssyncset.done $0x0  }
0x46: {  	s23 =	simm.s32 $0x240;
	[sflag:s22] =	ssyncadd.s32 $0xFFFFF400  }
0x47: {  	[tilespmem:s15], [sflag:$0x1] =	stream.indirect.gather [hbm4b:s4+s14], $0x20, s23, s14, $0xb8;
	[tilespmem:$0xC2C0] =	vst v63  }
0x48: {  	_ =	swait.ge [sflag:s24], $0xC00  }
0x49: {  	[sflag:s24] =	ssyncset.done $0x0  }
0x4a: {  	s21 =	simm.s32 $0x2940;
	[sflag:s24] =	ssyncadd.s32 $0xFFFFF400  }
0x4b: {  	[spmem:s2] =	stream.indirect.scatter.add.f32 [tilespmem:s19], [sflag:$0x6], $0x20, s21, s14, $0xb8;
	[tilespmem:$0xC2C0] =	vst v63  }
0x4c: {  	_ =	swait.ge [sflag:s26], $0xC00  }
0x4d: {  	[sflag:s26] =	ssyncset.done $0x0  }
0x4e: {  	s23 =	simm.s32 $0x2A0;
	[sflag:s26] =	ssyncadd.s32 $0xFFFFF400  }
0x4f: {  	[tilespmem:s16], [sflag:$0x2] =	stream.indirect.gather [hbm4b:s4+s14], $0x20, s23, s14, $0xb8;
	[tilespmem:$0xC2C0] =	vst v63  }
0x50: {  	_ =	swait.ge [sflag:s17], $0xC00  }
0x51: {  	[sflag:s17] =	ssyncset.done $0x0  }
0x52: {  	s21 =	simm.s32 $0x29A0;
	[sflag:s17] =	ssyncadd.s32 $0xFFFFF400  }
0x53: {  	[spmem:s2] =	stream.indirect.scatter.add.f32 [tilespmem:s15], [sflag:$0x4], $0x20, s21, s14, $0xb8;
	[tilespmem:$0xC2C0] =	vst v63  }
0x54: {  	_ =	swait.ge [sflag:s30], $0xC00  }
0x55: {  	[sflag:s30] =	ssyncset.done $0x0  }
0x56: {  	s23 =	simm.s32 $0x300;
	[sflag:s30] =	ssyncadd.s32 $0xFFFFF400  }
0x57: {  	[tilespmem:s19], [sflag:$0x3] =	stream.indirect.gather [hbm4b:s4+s14], $0x20, s23, s14, $0xb8;
	[tilespmem:$0xC2C0] =	vst v63  }
0x58: {  	_ =	swait.ge [sflag:s20], $0xC00  }
0x59: {  	[sflag:s20] =	ssyncset.done $0x0  }
0x5a: {  	s18 =	simm.s32 $0x480;
	s21 =	simm.s32 $0x2A00;
	[sflag:s20] =	ssyncadd.s32 $0xFFFFF400  }
.LBB2_2:
0x5b: {  	[spmem:s2] =	stream.indirect.scatter.add.f32 [tilespmem:s16], [sflag:$0x5], $0x20, s21, s14, $0xb8;
	[tilespmem:$0xC2C0] =	vst v63  }
0x5c: {  	s21 =	smov.u32 s18;
	s18 =	sadd.s32 $0x480, s18;
	_ =	swait.ge [sflag:s22], $0xC00  }
0x5d: {  	s21 =	sshra.s32 s21, $0x2;
	p0 =	sne.s32 s18, $0x9480;
	[sflag:s22] =	ssyncset.done $0x0  }
0x5e: {  	s23 =	sadd.s32 $0x240, s21;
	[sflag:s22] =	ssyncadd.s32 $0xFFFFF400  }
0x5f: {  	[tilespmem:s15], [sflag:$0x1] =	stream.indirect.gather [hbm4b:s4+s14], $0x20, s23, s14, $0xb8;
	[tilespmem:$0xC2C0] =	vst v63  }
0x60: {  	_ =	swait.ge [sflag:s24], $0xC00  }
0x61: {  	[sflag:s24] =	ssyncset.done $0x0  }
0x62: {  	s23 =	sadd.s32 $0x2940, s21;
	[sflag:s24] =	ssyncadd.s32 $0xFFFFF400  }
0x63: {  	[spmem:s2] =	stream.indirect.scatter.add.f32 [tilespmem:s19], [sflag:$0x6], $0x20, s23, s14, $0xb8;
	[tilespmem:$0xC2C0] =	vst v63  }
0x64: {  	_ =	swait.ge [sflag:s26], $0xC00  }
0x65: {  	[sflag:s26] =	ssyncset.done $0x0  }
0x66: {  	s23 =	sadd.s32 $0x2A0, s21;
	[sflag:s26] =	ssyncadd.s32 $0xFFFFF400  }
0x67: {  	[tilespmem:s16], [sflag:$0x2] =	stream.indirect.gather [hbm4b:s4+s14], $0x20, s23, s14, $0xb8;
	[tilespmem:$0xC2C0] =	vst v63  }
0x68: {  	_ =	swait.ge [sflag:s17], $0xC00  }
0x69: {  	[sflag:s17] =	ssyncset.done $0x0  }
0x6a: {  	s23 =	sadd.s32 $0x29A0, s21;
	[sflag:s17] =	ssyncadd.s32 $0xFFFFF400  }
0x6b: {  	[spmem:s2] =	stream.indirect.scatter.add.f32 [tilespmem:s15], [sflag:$0x4], $0x20, s23, s14, $0xb8;
	[tilespmem:$0xC2C0] =	vst v63  }
0x6c: {  	_ =	swait.ge [sflag:s30], $0xC00  }
0x6d: {  	[sflag:s30] =	ssyncset.done $0x0  }
.Ltmp0:
0x6e: {  	s23 =	sadd.s32 $0x300, s21;
	[sflag:s30] =	ssyncadd.s32 $0xFFFFF400;
	(pc) =	sbr.rel @p0 .LBB2_2-.Ltmp0, $4  }
0x6f: {  	[tilespmem:s19], [sflag:$0x3] =	stream.indirect.gather [hbm4b:s4+s14], $0x20, s23, s14, $0xb8;
	[tilespmem:$0xC2C0] =	vst v63  }
0x70: {  	_ =	swait.ge [sflag:s20], $0xC00  }
0x71: {  	[sflag:s20] =	ssyncset.done $0x0  }
0x72: {  	s21 =	sadd.s32 $0x2A00, s21;
	[sflag:s20] =	ssyncadd.s32 $0xFFFFF400  }
0x73: {  	[spmem:s2] =	stream.indirect.scatter.add.f32 [tilespmem:s16], [sflag:$0x5], $0x20, s21, s14, $0xb8;
	[tilespmem:$0xC2C0] =	vst v63  }
0x74: {  	_ =	swait.ge [sflag:s24], $0xC00  }
0x75: {  	s18 =	sshra.s32 s18, $0x2;
	[sflag:s24] =	ssyncset.done $0x0  }
0x76: {  	s18 =	sadd.s32 $0x2940, s18;
	[sflag:s24] =	ssyncadd.s32 $0xFFFFF400  }
0x77: {  	[spmem:s2] =	stream.indirect.scatter.add.f32 [tilespmem:s19], [sflag:$0x6], $0x20, s18, s14, $0xb8;
	[tilespmem:$0xC2C0] =	vst v63  }
0x78: {  	_ =	swait.ge [sflag:s22], $0xC00  }
0x79: {  	[sflag:s22] =	ssyncset.done $0x0  }
0x7a: {  	[sflag:s22] =	ssyncadd.s32 $0xFFFFF400  }
0x7b: {  	_ =	swait.ge [sflag:s26], $0xC00  }
0x7c: {  	[sflag:s26] =	ssyncset.done $0x0  }
0x7d: {  	[sflag:s26] =	ssyncadd.s32 $0xFFFFF400  }
0x7e: {  	_ =	swait.ge [sflag:s30], $0xC00  }
0x7f: {  	s0 =	sadd.s32 $0x1, s0;
	[sflag:s30] =	ssyncset.done $0x0  }
0x80: {  	p0 =	sne.s32 s0, s10;
	[sflag:s30] =	ssyncadd.s32 $0xFFFFF400  }
.Ltmp1:
0x81: {  	[bflag:$0x0] =	sbarrier.arrive $0xFFFF;
	(pc) =	sbr.rel @p0 .LBB2_1-.Ltmp1, $4  }
0x82: {  	[hbm:s9], [sflag:s6] =	dma.local [spmem:s11], $0xA00  }
0x83: {  	_ =	swait.ge [sflag:s12], $0xA00  }
0x84: {  	[sflag:s12] =	ssyncset.done $0x0  }
0x85: {  	[sflag:s12] =	ssyncadd.s32 $0xFFFFF600  }
0x86: {  	_ =	sfence.sel $0x180000  }
0x87: {  	[bflag:$0x0] =	sbarrier.arrive $0xFFFF  }
0x88: {  	_ =	strace $0x9000004A  }
0x89: {  	s0 =	stileid.u32;
	[bflag:$0x2] =	sbarrier.arrive $0xFFFF  }
0x8a: {  	p0 =	sne.s32 s0, $0x0;
	s0 =	rddreg [dreg:$0x2]  }
0x8b: {  	s0 =	sadd.s32 @!p0 $0x100000, s0  }
0x8c: {  	[sflag:s0] =	ssyncadd.tile.s32 @!p0 $0x1;
	_ =	shalt  }
.Lfunc_end2:
_tile_overlayer_lowered:
.L_overlay_start_2:
0x8d: {  	(tag) =	ssettag $0x2  }
0x8e: {  	s0 =	rddreg [dreg:$0x0];
	s2 =	stileid.u32  }
0x8f: {  	s1 =	rddreg [dreg:$0x1];
	p0 =	sne.s32 s2, $0x0  }
0x90: {  	s3 =	rddreg [dreg:$0x2];
	[bflag:$0x3] =	sbarrier.arrive $0xFFFF;
	s2 =	simm.s32 @!p0 $0x1C07  }
0x91: {  	[timem:s3], [sflag:s2] =	dma.local @!p0 [hbm:s0], s1  }
0x92: {  	s0 =	simm.s32 @!p0 $0x7  }
0x93: {  	_ =	swait.ge @!p0 [sflag:s0], s1  }
0x94: {  	s1 =	ssub.s32 @!p0 $0x0, s1;
	[sflag:s0] =	ssyncset.done @!p0 $0x0  }
0x95: {  	[sflag:s0] =	ssyncadd.s32 @!p0 s1  }
0x96: {  	[bflag:$0x3] =	sbarrier.arrive $0xFFFF  }
0x97: {  	_ =	shalt  }

</sc_bundles>
